<compile_context>
chip_gen: v7x
topology: tpu7x:2x2x1
jax: 0.10.2.dev20260603
libtpu: 0.0.44.dev20260713+nightly
codegen_flags: <defaults>
</compile_context>

<pallas_src>
import functools

import jax
import jax.numpy as jnp
from jax import lax
from jax.experimental import pallas as pl
from jax.experimental.pallas import tpu as pltpu
from jax.experimental.pallas import tpu_sc as plsc

A_DIMS = 100000
BATCH = 16384
ROW = 64
RPB = 1024
TCOL = 128
CLAST = (A_DIMS // TCOL) * TCOL
PART = A_DIMS - CLAST
NFULL = A_DIMS // TCOL - 1
NC, NS, L = 2, 16, 16
NW = NC * NS
BPW = BATCH // NW
NCHUNK = 4
CHUNK = BPW // NCHUNK
NBUF = 7
DPW = BPW * ROW

_mesh = plsc.VectorSubcoreMesh(core_axis_name="c", subcore_axis_name="s")


@functools.partial(
    pl.kernel,
    out_type=jax.ShapeDtypeStruct((BATCH,), jnp.float32),
    mesh=_mesh,
    compiler_params=pltpu.CompilerParams(needs_layout_passes=False),
    scratch_types=[
        pltpu.VMEM((BPW + L,), jnp.int32),
        pltpu.VMEM((BPW + L,), jnp.int32),
        pltpu.VMEM((NCHUNK, CHUNK), jnp.int32),
        pltpu.VMEM((NCHUNK, CHUNK), jnp.int32),
        pltpu.VMEM((NBUF, ROW, TCOL), jnp.float32),
        pltpu.VMEM((RPB * PART,), jnp.float32),
        pltpu.VMEM((DPW,), jnp.float32),
        pltpu.VMEM((BPW,), jnp.float32),
        pltpu.VMEM((BPW,), jnp.float32),
        pltpu.SemaphoreType.DMA((NBUF,)),
        pltpu.SemaphoreType.DMA,
        pltpu.SemaphoreType.DMA,
        pltpu.SemaphoreType.DMA,
        pltpu.SemaphoreType.DMA,
    ],
)
def _sc_kernel(a_hbm, r0_hbm, perm_hbm, def_hbm, w_hbm, wtail_hbm, b_hbm,
               out_hbm,
               a_v, r0_v, idx_v, pidx_v, blk_v, wt_v, d_v, bg_v, o_v,
               sem_w, sem_b, sem_in, sem_d, sem_out):
    wid = lax.axis_index("s") * NC + lax.axis_index("c")
    base = wid * BPW

    for j in range(NCHUNK):
        pltpu.async_copy(
            a_hbm.at[pl.ds(base + j * CHUNK, CHUNK)], idx_v.at[j], sem_in)
        pltpu.async_copy(
            perm_hbm.at[pl.ds(base + j * CHUNK, CHUNK)], pidx_v.at[j], sem_in)
    pltpu.sync_copy(a_hbm.at[pl.ds(base, BPW)], a_v.at[pl.ds(0, BPW)])
    pltpu.sync_copy(r0_hbm.at[pl.ds(base, BPW)], r0_v.at[pl.ds(0, BPW)])

    def sread(ref, e):
        return ref[pl.ds(e, L)][0]

    dcp = pltpu.async_copy(def_hbm.at[pl.ds(base * ROW, DPW)], d_v, sem_d)
    wtcp = pltpu.async_copy(wtail_hbm, wt_v, sem_d)
    for j in range(NCHUNK):
        pltpu.make_async_copy(
            a_hbm.at[pl.ds(0, CHUNK)], idx_v.at[j], sem_in).wait()
        pltpu.make_async_copy(
            a_hbm.at[pl.ds(0, CHUNK)], pidx_v.at[j], sem_in).wait()

    bcps = [
        pltpu.async_copy(
            b_hbm.at[idx_v.at[j]], bg_v.at[pl.ds(j * CHUNK, CHUNK)], sem_b)
        for j in range(NCHUNK)
    ]

    def is_new_block(e):
        em1 = jnp.maximum(e - 1, 0)
        same = ((sread(a_v, e) // TCOL == sread(a_v, em1) // TCOL)
                & (sread(r0_v, e) == sread(r0_v, em1)))
        return jnp.where(e == 0, jnp.int32(1), 1 - same.astype(jnp.int32))

    def fire(ew, nf):
        r0 = pl.multiple_of(sread(r0_v, ew), ROW)
        c0 = pl.multiple_of(
            jnp.minimum(sread(a_v, ew) // TCOL, NFULL) * TCOL, TCOL)
        pltpu.async_copy(
            w_hbm.at[pl.ds(r0, ROW), pl.ds(c0, TCOL)],
            blk_v.at[nf % NBUF], sem_w.at[nf % NBUF])

    def wait_blk(df):
        pltpu.make_async_copy(
            w_hbm.at[pl.ds(0, ROW), pl.ds(0, TCOL)], blk_v.at[df % NBUF],
            sem_w.at[df % NBUF]).wait()

    lane = lax.iota(jnp.int32, L)

    def compute(e, buf, outv):
        ae = sread(a_v, e)
        dchunks = [d_v[pl.ds(e * ROW + k * L, L)] for k in range(ROW // L)]

        def from_blk():
            col = jnp.full((L,), ae % TCOL, jnp.int32)
            blk = blk_v.at[buf]
            acc = plsc.load_gather(blk, [lane, col]) * dchunks[0]
            for k in range(1, ROW // L):
                acc = acc + (plsc.load_gather(blk, [k * L + lane, col])
                             * dchunks[k])
            return acc

        def from_tail():
            idx0 = jnp.full((L,), sread(r0_v, e) * PART + (ae - CLAST),
                            jnp.int32)
            fidx = idx0 + lane * PART
            acc = plsc.load_gather(wt_v, [fidx]) * dchunks[0]
            for k in range(1, ROW // L):
                acc = acc + (plsc.load_gather(wt_v, [fidx + k * L * PART])
                             * dchunks[k])
            return acc

        acc = lax.cond(ae < CLAST, from_blk, from_tail)
        return jnp.where(lane == e % L, jnp.sum(acc), outv)

    def fire_body(c):
        cew, cnf = c
        fnd = is_new_block(cew)

        @pl.when(fnd == 1)
        def _():
            fire(cew, cnf)

        return cew + 1, cnf + fnd

    ew0, nf0 = lax.while_loop(
        lambda c: (c[1] < NBUF) & (c[0] < BPW), fire_body,
        (jnp.int32(0), jnp.int32(0)))

    for c in bcps:
        c.wait()
    dcp.wait()
    wtcp.wait()

    def body(e, carry):
        ew, nf, curf, outv = carry
        nd = is_new_block(e)
        fe = curf + nd

        ew, nf = lax.while_loop(
            lambda c: (c[1] < fe + NBUF) & (c[0] < BPW), fire_body, (ew, nf))

        @pl.when(nd == 1)
        def _():
            wait_blk(fe)

        outv = compute(e, fe % NBUF, outv)

        @pl.when(e % L == L - 1)
        def _():
            g = e - (L - 1)
            o_v[pl.ds(g, L)] = outv + bg_v[pl.ds(g, L)]

        return ew, nf, fe, outv

    lax.fori_loop(
        0, BPW, body,
        (ew0, nf0, jnp.int32(-1), jnp.zeros((L,), jnp.float32)))

    ocps = [
        pltpu.async_copy(
            o_v.at[pl.ds(j * CHUNK, CHUNK)], out_hbm.at[pidx_v.at[j]],
            sem_out)
        for j in range(NCHUNK)
    ]
    for c in ocps:
        c.wait()


def kernel(a, bh_pos, def_pos, W, b):
    a32 = a.astype(jnp.int32)
    r0 = (bh_pos[:, 0].astype(jnp.int32) * 4
          + bh_pos[:, 1].astype(jnp.int32)) * ROW
    nj = A_DIMS // TCOL + 1
    key = (r0 // ROW) * nj + a32 // TCOL
    packed = jnp.sort(key * BATCH + jnp.arange(BATCH, dtype=jnp.int32))
    perm = packed % BATCH
    key_s = packed // BATCH
    a_s = a32[perm]
    r0_s = (key_s // nj) * ROW

    def_s = def_pos.astype(jnp.float32).reshape(BATCH, ROW)[perm].reshape(
        BATCH * ROW)
    wp = W.transpose(1, 2, 3, 4, 0).reshape(RPB, A_DIMS)
    wtail = wp[:, CLAST:].reshape(RPB * PART)
    return _sc_kernel(a_s, r0_s, perm, def_s, wp, wtail, b)

# --- scband reference (transcript-rebuilt; emitter-appended) ---
"""Pipeline reference for scband-full-67525475828225 (READ-ONLY COPY).

The authoritative reference and input builder live on the scoring server;
editing this copy changes nothing except your own understanding.
"""

import jax, jax.numpy as jnp
import numpy as np

A_DIMS = 100000
B_DIMS = (4, 4)
C_DIMS = (8, 8)
BATCH = 16384


def setup_inputs(seed: int = 0) -> dict:
    key = jax.random.key(seed)
    k_w, k_a, k_bh, k_def = jax.random.split(key, 4)
    W = jax.random.normal(k_w, (A_DIMS, *B_DIMS, *C_DIMS), dtype=jnp.float32)
    b = jnp.zeros((A_DIMS,), dtype=jnp.float32)
    a = jax.random.randint(k_a, (BATCH,), 0, A_DIMS, dtype=jnp.int64 if jax.config.jax_enable_x64 else jnp.int32)
    bh_pos = jax.random.randint(k_bh, (BATCH, 2), 0, 4, dtype=jnp.int64 if jax.config.jax_enable_x64 else jnp.int32)
    def_pos = jax.random.normal(k_def, (BATCH, *C_DIMS), dtype=jnp.float32)
    return {"a": a, "bh_pos": bh_pos, "def_pos": def_pos, "W": W, "b": b}


def reference(a, bh_pos, def_pos, W, b):
    # gather: W[a, bh_pos[:,0], bh_pos[:,1]] -> [B, 8, 8]
    gathered = W[a, bh_pos[:, 0], bh_pos[:, 1], :, :]
    out = jnp.einsum('bcd,bcd->b', gathered, def_pos.astype(jnp.float32))
    out = out + b[a]
    return out

if __name__ == "__main__":
    import jax
    _d = setup_inputs()
    print(jax.jit(kernel)(*tuple(_d.values())))

</pallas_src>

<mosaic_0001>
#map = affine_map<(d0, d1) -> (0)>
#map1 = affine_map<(d0, d1) -> (0, 0)>
module attributes {stable_mosaic.version = 14 : i64} {
  func.func @_sc_kernel(%arg0: i32, %arg1: i32, %arg2: memref<16384xi32, #tpu.memory_space<hbm>>, %arg3: memref<16384xi32, #tpu.memory_space<hbm>>, %arg4: memref<16384xi32, #tpu.memory_space<hbm>>, %arg5: memref<1048576xf32, #tpu.memory_space<hbm>>, %arg6: memref<1024x100000xf32, #tpu.memory_space<hbm>>, %arg7: memref<32768xf32, #tpu.memory_space<hbm>>, %arg8: memref<100000xf32, #tpu.memory_space<hbm>>, %arg9: memref<16384xf32, #tpu.memory_space<hbm>>, %arg10: memref<528xi32, #tpu.memory_space<vmem>>, %arg11: memref<528xi32, #tpu.memory_space<vmem>>, %arg12: memref<4x128xi32, #tpu.memory_space<vmem>>, %arg13: memref<4x128xi32, #tpu.memory_space<vmem>>, %arg14: memref<7x64x128xf32, #tpu.memory_space<vmem>>, %arg15: memref<32768xf32, #tpu.memory_space<vmem>>, %arg16: memref<32768xf32, #tpu.memory_space<vmem>>, %arg17: memref<512xf32, #tpu.memory_space<vmem>>, %arg18: memref<512xf32, #tpu.memory_space<vmem>>, %arg19: memref<7x!tpu.dma_semaphore, #tpu.memory_space<semaphore_mem>>, %arg20: memref<!tpu.dma_semaphore, #tpu.memory_space<semaphore_mem>>, %arg21: memref<!tpu.dma_semaphore, #tpu.memory_space<semaphore_mem>>, %arg22: memref<!tpu.dma_semaphore, #tpu.memory_space<semaphore_mem>>, %arg23: memref<!tpu.dma_semaphore, #tpu.memory_space<semaphore_mem>>) attributes {dimension_semantics = [#tpu.dimension_semantics<core_parallel>, #tpu.dimension_semantics<subcore_parallel>], iteration_bounds = array<i64: 2, 16>, scalar_prefetch = 0 : i64, scratch_operands = 14 : i64, tpu.core_type = #tpu.core_type<sc_vector_subcore>, window_params = [{transform_indices = #map}, {transform_indices = #map}, {transform_indices = #map}, {transform_indices = #map}, {transform_indices = #map1}, {transform_indices = #map}, {transform_indices = #map}, {transform_indices = #map}]} {
    %mul3A = arith.constant 2 : i32
    %mul3A_0 = arith.muli %arg1, %mul3A : i32
    %add3A = arith.addi %mul3A_0, %arg0 : i32
    %mul3A_1 = arith.constant 512 : i32
    %mul3A_2 = arith.muli %add3A, %mul3A_1 : i32
    %add3A_3 = arith.constant 0 : i32
    %add3A_4 = arith.addi %mul3A_2, %add3A_3 : i32
    %dma_start3A = arith.constant 0 : i32
    %dma_start3A_5 = arith.constant 0 : i32
    %dma_start3A_6 = tpu.memref_slice %arg12[%dma_start3A, %dma_start3A_5] : memref<4x128xi32, #tpu.memory_space<vmem>> -> memref<1x128xi32, #tpu.memory_space<vmem>>
    %dma_start3A_7 = tpu.memref_squeeze %dma_start3A_6 : memref<1x128xi32, #tpu.memory_space<vmem>> -> memref<128xi32, #tpu.memory_space<vmem>>
    %dma_start3A_8 = tpu.memref_slice %arg2[%add3A_4] : memref<16384xi32, #tpu.memory_space<hbm>> -> memref<128xi32, #tpu.memory_space<hbm>>
    %dma_start3A_9 = arith.constant 0 : i32
    %dma_start3A_10 = tpu.memref_slice %arg12[%dma_start3A, %dma_start3A_9] : memref<4x128xi32, #tpu.memory_space<vmem>> -> memref<1x128xi32, #tpu.memory_space<vmem>>
    %dma_start3A_11 = tpu.memref_squeeze %dma_start3A_10 : memref<1x128xi32, #tpu.memory_space<vmem>> -> memref<128xi32, #tpu.memory_space<vmem>>
    %dma_start3A_12 = tpu.memref_slice %arg2[%add3A_4] : memref<16384xi32, #tpu.memory_space<hbm>> -> memref<128xi32, #tpu.memory_space<hbm>>
    tpu.enqueue_dma source(%dma_start3A_12 : memref<128xi32, #tpu.memory_space<hbm>>) target(%dma_start3A_11 : memref<128xi32, #tpu.memory_space<vmem>>) target_semaphore(%arg21 : memref<!tpu.dma_semaphore, #tpu.memory_space<semaphore_mem>>)
    %add3A_13 = arith.constant 0 : i32
    %add3A_14 = arith.addi %mul3A_2, %add3A_13 : i32
    %dma_start3A_15 = arith.constant 0 : i32
    %dma_start3A_16 = arith.constant 0 : i32
    %dma_start3A_17 = tpu.memref_slice %arg13[%dma_start3A_15, %dma_start3A_16] : memref<4x128xi32, #tpu.memory_space<vmem>> -> memref<1x128xi32, #tpu.memory_space<vmem>>
    %dma_start3A_18 = tpu.memref_squeeze %dma_start3A_17 : memref<1x128xi32, #tpu.memory_space<vmem>> -> memref<128xi32, #tpu.memory_space<vmem>>
    %dma_start3A_19 = tpu.memref_slice %arg4[%add3A_14] : memref<16384xi32, #tpu.memory_space<hbm>> -> memref<128xi32, #tpu.memory_space<hbm>>
    %dma_start3A_20 = arith.constant 0 : i32
    %dma_start3A_21 = tpu.memref_slice %arg13[%dma_start3A_15, %dma_start3A_20] : memref<4x128xi32, #tpu.memory_space<vmem>> -> memref<1x128xi32, #tpu.memory_space<vmem>>
    %dma_start3A_22 = tpu.memref_squeeze %dma_start3A_21 : memref<1x128xi32, #tpu.memory_space<vmem>> -> memref<128xi32, #tpu.memory_space<vmem>>
    %dma_start3A_23 = tpu.memref_slice %arg4[%add3A_14] : memref<16384xi32, #tpu.memory_space<hbm>> -> memref<128xi32, #tpu.memory_space<hbm>>
    tpu.enqueue_dma source(%dma_start3A_23 : memref<128xi32, #tpu.memory_space<hbm>>) target(%dma_start3A_22 : memref<128xi32, #tpu.memory_space<vmem>>) target_semaphore(%arg21 : memref<!tpu.dma_semaphore, #tpu.memory_space<semaphore_mem>>)
    %add3A_24 = arith.constant 128 : i32
    %add3A_25 = arith.addi %mul3A_2, %add3A_24 : i32
    %dma_start3A_26 = arith.constant 1 : i32
    %dma_start3A_27 = arith.constant 0 : i32
    %dma_start3A_28 = tpu.memref_slice %arg12[%dma_start3A_26, %dma_start3A_27] : memref<4x128xi32, #tpu.memory_space<vmem>> -> memref<1x128xi32, #tpu.memory_space<vmem>>
    %dma_start3A_29 = tpu.memref_squeeze %dma_start3A_28 : memref<1x128xi32, #tpu.memory_space<vmem>> -> memref<128xi32, #tpu.memory_space<vmem>>
    %dma_start3A_30 = tpu.memref_slice %arg2[%add3A_25] : memref<16384xi32, #tpu.memory_space<hbm>> -> memref<128xi32, #tpu.memory_space<hbm>>
    %dma_start3A_31 = arith.constant 0 : i32
    %dma_start3A_32 = tpu.memref_slice %arg12[%dma_start3A_26, %dma_start3A_31] : memref<4x128xi32, #tpu.memory_space<vmem>> -> memref<1x128xi32, #tpu.memory_space<vmem>>
    %dma_start3A_33 = tpu.memref_squeeze %dma_start3A_32 : memref<1x128xi32, #tpu.memory_space<vmem>> -> memref<128xi32, #tpu.memory_space<vmem>>
    %dma_start3A_34 = tpu.memref_slice %arg2[%add3A_25] : memref<16384xi32, #tpu.memory_space<hbm>> -> memref<128xi32, #tpu.memory_space<hbm>>
    tpu.enqueue_dma source(%dma_start3A_34 : memref<128xi32, #tpu.memory_space<hbm>>) target(%dma_start3A_33 : memref<128xi32, #tpu.memory_space<vmem>>) target_semaphore(%arg21 : memref<!tpu.dma_semaphore, #tpu.memory_space<semaphore_mem>>)
    %add3A_35 = arith.constant 128 : i32
    %add3A_36 = arith.addi %mul3A_2, %add3A_35 : i32
    %dma_start3A_37 = arith.constant 1 : i32
    %dma_start3A_38 = arith.constant 0 : i32
    %dma_start3A_39 = tpu.memref_slice %arg13[%dma_start3A_37, %dma_start3A_38] : memref<4x128xi32, #tpu.memory_space<vmem>> -> memref<1x128xi32, #tpu.memory_space<vmem>>
    %dma_start3A_40 = tpu.memref_squeeze %dma_start3A_39 : memref<1x128xi32, #tpu.memory_space<vmem>> -> memref<128xi32, #tpu.memory_space<vmem>>
    %dma_start3A_41 = tpu.memref_slice %arg4[%add3A_36] : memref<16384xi32, #tpu.memory_space<hbm>> -> memref<128xi32, #tpu.memory_space<hbm>>
    %dma_start3A_42 = arith.constant 0 : i32
    %dma_start3A_43 = tpu.memref_slice %arg13[%dma_start3A_37, %dma_start3A_42] : memref<4x128xi32, #tpu.memory_space<vmem>> -> memref<1x128xi32, #tpu.memory_space<vmem>>
    %dma_start3A_44 = tpu.memref_squeeze %dma_start3A_43 : memref<1x128xi32, #tpu.memory_space<vmem>> -> memref<128xi32, #tpu.memory_space<vmem>>
    %dma_start3A_45 = tpu.memref_slice %arg4[%add3A_36] : memref<16384xi32, #tpu.memory_space<hbm>> -> memref<128xi32, #tpu.memory_space<hbm>>
    tpu.enqueue_dma source(%dma_start3A_45 : memref<128xi32, #tpu.memory_space<hbm>>) target(%dma_start3A_44 : memref<128xi32, #tpu.memory_space<vmem>>) target_semaphore(%arg21 : memref<!tpu.dma_semaphore, #tpu.memory_space<semaphore_mem>>)
    %add3A_46 = arith.constant 256 : i32
    %add3A_47 = arith.addi %mul3A_2, %add3A_46 : i32
    %dma_start3A_48 = arith.constant 2 : i32
    %dma_start3A_49 = arith.constant 0 : i32
    %dma_start3A_50 = tpu.memref_slice %arg12[%dma_start3A_48, %dma_start3A_49] : memref<4x128xi32, #tpu.memory_space<vmem>> -> memref<1x128xi32, #tpu.memory_space<vmem>>
    %dma_start3A_51 = tpu.memref_squeeze %dma_start3A_50 : memref<1x128xi32, #tpu.memory_space<vmem>> -> memref<128xi32, #tpu.memory_space<vmem>>
    %dma_start3A_52 = tpu.memref_slice %arg2[%add3A_47] : memref<16384xi32, #tpu.memory_space<hbm>> -> memref<128xi32, #tpu.memory_space<hbm>>
    %dma_start3A_53 = arith.constant 0 : i32
    %dma_start3A_54 = tpu.memref_slice %arg12[%dma_start3A_48, %dma_start3A_53] : memref<4x128xi32, #tpu.memory_space<vmem>> -> memref<1x128xi32, #tpu.memory_space<vmem>>
    %dma_start3A_55 = tpu.memref_squeeze %dma_start3A_54 : memref<1x128xi32, #tpu.memory_space<vmem>> -> memref<128xi32, #tpu.memory_space<vmem>>
    %dma_start3A_56 = tpu.memref_slice %arg2[%add3A_47] : memref<16384xi32, #tpu.memory_space<hbm>> -> memref<128xi32, #tpu.memory_space<hbm>>
    tpu.enqueue_dma source(%dma_start3A_56 : memref<128xi32, #tpu.memory_space<hbm>>) target(%dma_start3A_55 : memref<128xi32, #tpu.memory_space<vmem>>) target_semaphore(%arg21 : memref<!tpu.dma_semaphore, #tpu.memory_space<semaphore_mem>>)
    %add3A_57 = arith.constant 256 : i32
    %add3A_58 = arith.addi %mul3A_2, %add3A_57 : i32
    %dma_start3A_59 = arith.constant 2 : i32
    %dma_start3A_60 = arith.constant 0 : i32
    %dma_start3A_61 = tpu.memref_slice %arg13[%dma_start3A_59, %dma_start3A_60] : memref<4x128xi32, #tpu.memory_space<vmem>> -> memref<1x128xi32, #tpu.memory_space<vmem>>
    %dma_start3A_62 = tpu.memref_squeeze %dma_start3A_61 : memref<1x128xi32, #tpu.memory_space<vmem>> -> memref<128xi32, #tpu.memory_space<vmem>>
    %dma_start3A_63 = tpu.memref_slice %arg4[%add3A_58] : memref<16384xi32, #tpu.memory_space<hbm>> -> memref<128xi32, #tpu.memory_space<hbm>>
    %dma_start3A_64 = arith.constant 0 : i32
    %dma_start3A_65 = tpu.memref_slice %arg13[%dma_start3A_59, %dma_start3A_64] : memref<4x128xi32, #tpu.memory_space<vmem>> -> memref<1x128xi32, #tpu.memory_space<vmem>>
    %dma_start3A_66 = tpu.memref_squeeze %dma_start3A_65 : memref<1x128xi32, #tpu.memory_space<vmem>> -> memref<128xi32, #tpu.memory_space<vmem>>
    %dma_start3A_67 = tpu.memref_slice %arg4[%add3A_58] : memref<16384xi32, #tpu.memory_space<hbm>> -> memref<128xi32, #tpu.memory_space<hbm>>
    tpu.enqueue_dma source(%dma_start3A_67 : memref<128xi32, #tpu.memory_space<hbm>>) target(%dma_start3A_66 : memref<128xi32, #tpu.memory_space<vmem>>) target_semaphore(%arg21 : memref<!tpu.dma_semaphore, #tpu.memory_space<semaphore_mem>>)
    %add3A_68 = arith.constant 384 : i32
    %add3A_69 = arith.addi %mul3A_2, %add3A_68 : i32
    %dma_start3A_70 = arith.constant 3 : i32
    %dma_start3A_71 = arith.constant 0 : i32
    %dma_start3A_72 = tpu.memref_slice %arg12[%dma_start3A_70, %dma_start3A_71] : memref<4x128xi32, #tpu.memory_space<vmem>> -> memref<1x128xi32, #tpu.memory_space<vmem>>
    %dma_start3A_73 = tpu.memref_squeeze %dma_start3A_72 : memref<1x128xi32, #tpu.memory_space<vmem>> -> memref<128xi32, #tpu.memory_space<vmem>>
    %dma_start3A_74 = tpu.memref_slice %arg2[%add3A_69] : memref<16384xi32, #tpu.memory_space<hbm>> -> memref<128xi32, #tpu.memory_space<hbm>>
    %dma_start3A_75 = arith.constant 0 : i32
    %dma_start3A_76 = tpu.memref_slice %arg12[%dma_start3A_70, %dma_start3A_75] : memref<4x128xi32, #tpu.memory_space<vmem>> -> memref<1x128xi32, #tpu.memory_space<vmem>>
    %dma_start3A_77 = tpu.memref_squeeze %dma_start3A_76 : memref<1x128xi32, #tpu.memory_space<vmem>> -> memref<128xi32, #tpu.memory_space<vmem>>
    %dma_start3A_78 = tpu.memref_slice %arg2[%add3A_69] : memref<16384xi32, #tpu.memory_space<hbm>> -> memref<128xi32, #tpu.memory_space<hbm>>
    tpu.enqueue_dma source(%dma_start3A_78 : memref<128xi32, #tpu.memory_space<hbm>>) target(%dma_start3A_77 : memref<128xi32, #tpu.memory_space<vmem>>) target_semaphore(%arg21 : memref<!tpu.dma_semaphore, #tpu.memory_space<semaphore_mem>>)
    %add3A_79 = arith.constant 384 : i32
    %add3A_80 = arith.addi %mul3A_2, %add3A_79 : i32
    %dma_start3A_81 = arith.constant 3 : i32
    %dma_start3A_82 = arith.constant 0 : i32
    %dma_start3A_83 = tpu.memref_slice %arg13[%dma_start3A_81, %dma_start3A_82] : memref<4x128xi32, #tpu.memory_space<vmem>> -> memref<1x128xi32, #tpu.memory_space<vmem>>
    %dma_start3A_84 = tpu.memref_squeeze %dma_start3A_83 : memref<1x128xi32, #tpu.memory_space<vmem>> -> memref<128xi32, #tpu.memory_space<vmem>>
    %dma_start3A_85 = tpu.memref_slice %arg4[%add3A_80] : memref<16384xi32, #tpu.memory_space<hbm>> -> memref<128xi32, #tpu.memory_space<hbm>>
    %dma_start3A_86 = arith.constant 0 : i32
    %dma_start3A_87 = tpu.memref_slice %arg13[%dma_start3A_81, %dma_start3A_86] : memref<4x128xi32, #tpu.memory_space<vmem>> -> memref<1x128xi32, #tpu.memory_space<vmem>>
    %dma_start3A_88 = tpu.memref_squeeze %dma_start3A_87 : memref<1x128xi32, #tpu.memory_space<vmem>> -> memref<128xi32, #tpu.memory_space<vmem>>
    %dma_start3A_89 = tpu.memref_slice %arg4[%add3A_80] : memref<16384xi32, #tpu.memory_space<hbm>> -> memref<128xi32, #tpu.memory_space<hbm>>
    tpu.enqueue_dma source(%dma_start3A_89 : memref<128xi32, #tpu.memory_space<hbm>>) target(%dma_start3A_88 : memref<128xi32, #tpu.memory_space<vmem>>) target_semaphore(%arg21 : memref<!tpu.dma_semaphore, #tpu.memory_space<semaphore_mem>>)
    "tpu.region"() ({
      %run_scoped3A = tpu.sem_alloc : memref<!tpu.dma_semaphore, #tpu.memory_space<semaphore_mem>>
      %dma_start3A_320 = arith.constant 0 : i32
      %dma_start3A_321 = tpu.memref_slice %arg10[%dma_start3A_320] : memref<528xi32, #tpu.memory_space<vmem>> -> memref<512xi32, #tpu.memory_space<vmem>>
      %dma_start3A_322 = tpu.memref_slice %arg2[%mul3A_2] : memref<16384xi32, #tpu.memory_space<hbm>> -> memref<512xi32, #tpu.memory_space<hbm>>
      %dma_start3A_323 = arith.constant 0 : i32
      %dma_start3A_324 = tpu.memref_slice %arg10[%dma_start3A_323] : memref<528xi32, #tpu.memory_space<vmem>> -> memref<512xi32, #tpu.memory_space<vmem>>
      %dma_start3A_325 = tpu.memref_slice %arg2[%mul3A_2] : memref<16384xi32, #tpu.memory_space<hbm>> -> memref<512xi32, #tpu.memory_space<hbm>>
      tpu.enqueue_dma source(%dma_start3A_325 : memref<512xi32, #tpu.memory_space<hbm>>) target(%dma_start3A_324 : memref<512xi32, #tpu.memory_space<vmem>>) target_semaphore(%run_scoped3A : memref<!tpu.dma_semaphore, #tpu.memory_space<semaphore_mem>>)
      %dma_wait3A_326 = arith.constant 0 : i32
      %dma_wait3A_327 = tpu.memref_slice %arg10[%dma_wait3A_326] : memref<528xi32, #tpu.memory_space<vmem>> -> memref<512xi32, #tpu.memory_space<vmem>>
      %dma_wait3A_328 = tpu.memref_slice %arg2[%mul3A_2] : memref<16384xi32, #tpu.memory_space<hbm>> -> memref<512xi32, #tpu.memory_space<hbm>>
      %dma_wait3A_329 = arith.constant 0 : i32
      %dma_wait3A_330 = tpu.memref_slice %arg10[%dma_wait3A_329] : memref<528xi32, #tpu.memory_space<vmem>> -> memref<512xi32, #tpu.memory_space<vmem>>
      %dma_wait3A_331 = tpu.memref_slice %arg2[%mul3A_2] : memref<16384xi32, #tpu.memory_space<hbm>> -> memref<512xi32, #tpu.memory_space<hbm>>
      tpu.wait_dma2 semaphore(%run_scoped3A : memref<!tpu.dma_semaphore, #tpu.memory_space<semaphore_mem>>) src(%dma_wait3A_331 : memref<512xi32, #tpu.memory_space<hbm>>) dst(%dma_wait3A_330 : memref<512xi32, #tpu.memory_space<vmem>>)
      tpu.yield
    }) : () -> ()
    "tpu.region"() ({
      %run_scoped3A = tpu.sem_alloc : memref<!tpu.dma_semaphore, #tpu.memory_space<semaphore_mem>>
      %dma_start3A_320 = arith.constant 0 : i32
      %dma_start3A_321 = tpu.memref_slice %arg11[%dma_start3A_320] : memref<528xi32, #tpu.memory_space<vmem>> -> memref<512xi32, #tpu.memory_space<vmem>>
      %dma_start3A_322 = tpu.memref_slice %arg3[%mul3A_2] : memref<16384xi32, #tpu.memory_space<hbm>> -> memref<512xi32, #tpu.memory_space<hbm>>
      %dma_start3A_323 = arith.constant 0 : i32
      %dma_start3A_324 = tpu.memref_slice %arg11[%dma_start3A_323] : memref<528xi32, #tpu.memory_space<vmem>> -> memref<512xi32, #tpu.memory_space<vmem>>
      %dma_start3A_325 = tpu.memref_slice %arg3[%mul3A_2] : memref<16384xi32, #tpu.memory_space<hbm>> -> memref<512xi32, #tpu.memory_space<hbm>>
      tpu.enqueue_dma source(%dma_start3A_325 : memref<512xi32, #tpu.memory_space<hbm>>) target(%dma_start3A_324 : memref<512xi32, #tpu.memory_space<vmem>>) target_semaphore(%run_scoped3A : memref<!tpu.dma_semaphore, #tpu.memory_space<semaphore_mem>>)
      %dma_wait3A_326 = arith.constant 0 : i32
      %dma_wait3A_327 = tpu.memref_slice %arg11[%dma_wait3A_326] : memref<528xi32, #tpu.memory_space<vmem>> -> memref<512xi32, #tpu.memory_space<vmem>>
      %dma_wait3A_328 = tpu.memref_slice %arg3[%mul3A_2] : memref<16384xi32, #tpu.memory_space<hbm>> -> memref<512xi32, #tpu.memory_space<hbm>>
      %dma_wait3A_329 = arith.constant 0 : i32
      %dma_wait3A_330 = tpu.memref_slice %arg11[%dma_wait3A_329] : memref<528xi32, #tpu.memory_space<vmem>> -> memref<512xi32, #tpu.memory_space<vmem>>
      %dma_wait3A_331 = tpu.memref_slice %arg3[%mul3A_2] : memref<16384xi32, #tpu.memory_space<hbm>> -> memref<512xi32, #tpu.memory_space<hbm>>
      tpu.wait_dma2 semaphore(%run_scoped3A : memref<!tpu.dma_semaphore, #tpu.memory_space<semaphore_mem>>) src(%dma_wait3A_331 : memref<512xi32, #tpu.memory_space<hbm>>) dst(%dma_wait3A_330 : memref<512xi32, #tpu.memory_space<vmem>>)
      tpu.yield
    }) : () -> ()
    %mul3A_90 = arith.constant 64 : i32
    %mul3A_91 = arith.muli %mul3A_2, %mul3A_90 : i32
    %dma_start3A_92 = tpu.memref_slice %arg5[%mul3A_91] : memref<1048576xf32, #tpu.memory_space<hbm>> -> memref<32768xf32, #tpu.memory_space<hbm>>
    %dma_start3A_93 = tpu.memref_slice %arg5[%mul3A_91] : memref<1048576xf32, #tpu.memory_space<hbm>> -> memref<32768xf32, #tpu.memory_space<hbm>>
    tpu.enqueue_dma source(%dma_start3A_93 : memref<32768xf32, #tpu.memory_space<hbm>>) target(%arg16 : memref<32768xf32, #tpu.memory_space<vmem>>) target_semaphore(%arg22 : memref<!tpu.dma_semaphore, #tpu.memory_space<semaphore_mem>>)
    tpu.enqueue_dma source(%arg7 : memref<32768xf32, #tpu.memory_space<hbm>>) target(%arg15 : memref<32768xf32, #tpu.memory_space<vmem>>) target_semaphore(%arg22 : memref<!tpu.dma_semaphore, #tpu.memory_space<semaphore_mem>>)
    %dma_wait3A = arith.constant 0 : i32
    %dma_wait3A_94 = arith.constant 0 : i32
    %dma_wait3A_95 = tpu.memref_slice %arg12[%dma_wait3A, %dma_wait3A_94] : memref<4x128xi32, #tpu.memory_space<vmem>> -> memref<1x128xi32, #tpu.memory_space<vmem>>
    %dma_wait3A_96 = tpu.memref_squeeze %dma_wait3A_95 : memref<1x128xi32, #tpu.memory_space<vmem>> -> memref<128xi32, #tpu.memory_space<vmem>>
    %dma_wait3A_97 = arith.constant 0 : i32
    %dma_wait3A_98 = tpu.memref_slice %arg2[%dma_wait3A_97] : memref<16384xi32, #tpu.memory_space<hbm>> -> memref<128xi32, #tpu.memory_space<hbm>>
    %dma_wait3A_99 = arith.constant 0 : i32
    %dma_wait3A_100 = tpu.memref_slice %arg12[%dma_wait3A, %dma_wait3A_99] : memref<4x128xi32, #tpu.memory_space<vmem>> -> memref<1x128xi32, #tpu.memory_space<vmem>>
    %dma_wait3A_101 = tpu.memref_squeeze %dma_wait3A_100 : memref<1x128xi32, #tpu.memory_space<vmem>> -> memref<128xi32, #tpu.memory_space<vmem>>
    %dma_wait3A_102 = arith.constant 0 : i32
    %dma_wait3A_103 = tpu.memref_slice %arg2[%dma_wait3A_102] : memref<16384xi32, #tpu.memory_space<hbm>> -> memref<128xi32, #tpu.memory_space<hbm>>
    tpu.wait_dma2 semaphore(%arg21 : memref<!tpu.dma_semaphore, #tpu.memory_space<semaphore_mem>>) src(%dma_wait3A_103 : memref<128xi32, #tpu.memory_space<hbm>>) dst(%dma_wait3A_101 : memref<128xi32, #tpu.memory_space<vmem>>)
    %dma_wait3A_104 = arith.constant 0 : i32
    %dma_wait3A_105 = arith.constant 0 : i32
    %dma_wait3A_106 = tpu.memref_slice %arg13[%dma_wait3A_104, %dma_wait3A_105] : memref<4x128xi32, #tpu.memory_space<vmem>> -> memref<1x128xi32, #tpu.memory_space<vmem>>
    %dma_wait3A_107 = tpu.memref_squeeze %dma_wait3A_106 : memref<1x128xi32, #tpu.memory_space<vmem>> -> memref<128xi32, #tpu.memory_space<vmem>>
    %dma_wait3A_108 = arith.constant 0 : i32
    %dma_wait3A_109 = tpu.memref_slice %arg2[%dma_wait3A_108] : memref<16384xi32, #tpu.memory_space<hbm>> -> memref<128xi32, #tpu.memory_space<hbm>>
    %dma_wait3A_110 = arith.constant 0 : i32
    %dma_wait3A_111 = tpu.memref_slice %arg13[%dma_wait3A_104, %dma_wait3A_110] : memref<4x128xi32, #tpu.memory_space<vmem>> -> memref<1x128xi32, #tpu.memory_space<vmem>>
    %dma_wait3A_112 = tpu.memref_squeeze %dma_wait3A_111 : memref<1x128xi32, #tpu.memory_space<vmem>> -> memref<128xi32, #tpu.memory_space<vmem>>
    %dma_wait3A_113 = arith.constant 0 : i32
    %dma_wait3A_114 = tpu.memref_slice %arg2[%dma_wait3A_113] : memref<16384xi32, #tpu.memory_space<hbm>> -> memref<128xi32, #tpu.memory_space<hbm>>
    tpu.wait_dma2 semaphore(%arg21 : memref<!tpu.dma_semaphore, #tpu.memory_space<semaphore_mem>>) src(%dma_wait3A_114 : memref<128xi32, #tpu.memory_space<hbm>>) dst(%dma_wait3A_112 : memref<128xi32, #tpu.memory_space<vmem>>)
    %dma_wait3A_115 = arith.constant 1 : i32
    %dma_wait3A_116 = arith.constant 0 : i32
    %dma_wait3A_117 = tpu.memref_slice %arg12[%dma_wait3A_115, %dma_wait3A_116] : memref<4x128xi32, #tpu.memory_space<vmem>> -> memref<1x128xi32, #tpu.memory_space<vmem>>
    %dma_wait3A_118 = tpu.memref_squeeze %dma_wait3A_117 : memref<1x128xi32, #tpu.memory_space<vmem>> -> memref<128xi32, #tpu.memory_space<vmem>>
    %dma_wait3A_119 = arith.constant 0 : i32
    %dma_wait3A_120 = tpu.memref_slice %arg2[%dma_wait3A_119] : memref<16384xi32, #tpu.memory_space<hbm>> -> memref<128xi32, #tpu.memory_space<hbm>>
    %dma_wait3A_121 = arith.constant 0 : i32
    %dma_wait3A_122 = tpu.memref_slice %arg12[%dma_wait3A_115, %dma_wait3A_121] : memref<4x128xi32, #tpu.memory_space<vmem>> -> memref<1x128xi32, #tpu.memory_space<vmem>>
    %dma_wait3A_123 = tpu.memref_squeeze %dma_wait3A_122 : memref<1x128xi32, #tpu.memory_space<vmem>> -> memref<128xi32, #tpu.memory_space<vmem>>
    %dma_wait3A_124 = arith.constant 0 : i32
    %dma_wait3A_125 = tpu.memref_slice %arg2[%dma_wait3A_124] : memref<16384xi32, #tpu.memory_space<hbm>> -> memref<128xi32, #tpu.memory_space<hbm>>
    tpu.wait_dma2 semaphore(%arg21 : memref<!tpu.dma_semaphore, #tpu.memory_space<semaphore_mem>>) src(%dma_wait3A_125 : memref<128xi32, #tpu.memory_space<hbm>>) dst(%dma_wait3A_123 : memref<128xi32, #tpu.memory_space<vmem>>)
    %dma_wait3A_126 = arith.constant 1 : i32
    %dma_wait3A_127 = arith.constant 0 : i32
    %dma_wait3A_128 = tpu.memref_slice %arg13[%dma_wait3A_126, %dma_wait3A_127] : memref<4x128xi32, #tpu.memory_space<vmem>> -> memref<1x128xi32, #tpu.memory_space<vmem>>
    %dma_wait3A_129 = tpu.memref_squeeze %dma_wait3A_128 : memref<1x128xi32, #tpu.memory_space<vmem>> -> memref<128xi32, #tpu.memory_space<vmem>>
    %dma_wait3A_130 = arith.constant 0 : i32
    %dma_wait3A_131 = tpu.memref_slice %arg2[%dma_wait3A_130] : memref<16384xi32, #tpu.memory_space<hbm>> -> memref<128xi32, #tpu.memory_space<hbm>>
    %dma_wait3A_132 = arith.constant 0 : i32
    %dma_wait3A_133 = tpu.memref_slice %arg13[%dma_wait3A_126, %dma_wait3A_132] : memref<4x128xi32, #tpu.memory_space<vmem>> -> memref<1x128xi32, #tpu.memory_space<vmem>>
    %dma_wait3A_134 = tpu.memref_squeeze %dma_wait3A_133 : memref<1x128xi32, #tpu.memory_space<vmem>> -> memref<128xi32, #tpu.memory_space<vmem>>
    %dma_wait3A_135 = arith.constant 0 : i32
    %dma_wait3A_136 = tpu.memref_slice %arg2[%dma_wait3A_135] : memref<16384xi32, #tpu.memory_space<hbm>> -> memref<128xi32, #tpu.memory_space<hbm>>
    tpu.wait_dma2 semaphore(%arg21 : memref<!tpu.dma_semaphore, #tpu.memory_space<semaphore_mem>>) src(%dma_wait3A_136 : memref<128xi32, #tpu.memory_space<hbm>>) dst(%dma_wait3A_134 : memref<128xi32, #tpu.memory_space<vmem>>)
    %dma_wait3A_137 = arith.constant 2 : i32
    %dma_wait3A_138 = arith.constant 0 : i32
    %dma_wait3A_139 = tpu.memref_slice %arg12[%dma_wait3A_137, %dma_wait3A_138] : memref<4x128xi32, #tpu.memory_space<vmem>> -> memref<1x128xi32, #tpu.memory_space<vmem>>
    %dma_wait3A_140 = tpu.memref_squeeze %dma_wait3A_139 : memref<1x128xi32, #tpu.memory_space<vmem>> -> memref<128xi32, #tpu.memory_space<vmem>>
    %dma_wait3A_141 = arith.constant 0 : i32
    %dma_wait3A_142 = tpu.memref_slice %arg2[%dma_wait3A_141] : memref<16384xi32, #tpu.memory_space<hbm>> -> memref<128xi32, #tpu.memory_space<hbm>>
    %dma_wait3A_143 = arith.constant 0 : i32
    %dma_wait3A_144 = tpu.memref_slice %arg12[%dma_wait3A_137, %dma_wait3A_143] : memref<4x128xi32, #tpu.memory_space<vmem>> -> memref<1x128xi32, #tpu.memory_space<vmem>>
    %dma_wait3A_145 = tpu.memref_squeeze %dma_wait3A_144 : memref<1x128xi32, #tpu.memory_space<vmem>> -> memref<128xi32, #tpu.memory_space<vmem>>
    %dma_wait3A_146 = arith.constant 0 : i32
    %dma_wait3A_147 = tpu.memref_slice %arg2[%dma_wait3A_146] : memref<16384xi32, #tpu.memory_space<hbm>> -> memref<128xi32, #tpu.memory_space<hbm>>
    tpu.wait_dma2 semaphore(%arg21 : memref<!tpu.dma_semaphore, #tpu.memory_space<semaphore_mem>>) src(%dma_wait3A_147 : memref<128xi32, #tpu.memory_space<hbm>>) dst(%dma_wait3A_145 : memref<128xi32, #tpu.memory_space<vmem>>)
    %dma_wait3A_148 = arith.constant 2 : i32
    %dma_wait3A_149 = arith.constant 0 : i32
    %dma_wait3A_150 = tpu.memref_slice %arg13[%dma_wait3A_148, %dma_wait3A_149] : memref<4x128xi32, #tpu.memory_space<vmem>> -> memref<1x128xi32, #tpu.memory_space<vmem>>
    %dma_wait3A_151 = tpu.memref_squeeze %dma_wait3A_150 : memref<1x128xi32, #tpu.memory_space<vmem>> -> memref<128xi32, #tpu.memory_space<vmem>>
    %dma_wait3A_152 = arith.constant 0 : i32
    %dma_wait3A_153 = tpu.memref_slice %arg2[%dma_wait3A_152] : memref<16384xi32, #tpu.memory_space<hbm>> -> memref<128xi32, #tpu.memory_space<hbm>>
    %dma_wait3A_154 = arith.constant 0 : i32
    %dma_wait3A_155 = tpu.memref_slice %arg13[%dma_wait3A_148, %dma_wait3A_154] : memref<4x128xi32, #tpu.memory_space<vmem>> -> memref<1x128xi32, #tpu.memory_space<vmem>>
    %dma_wait3A_156 = tpu.memref_squeeze %dma_wait3A_155 : memref<1x128xi32, #tpu.memory_space<vmem>> -> memref<128xi32, #tpu.memory_space<vmem>>
    %dma_wait3A_157 = arith.constant 0 : i32
    %dma_wait3A_158 = tpu.memref_slice %arg2[%dma_wait3A_157] : memref<16384xi32, #tpu.memory_space<hbm>> -> memref<128xi32, #tpu.memory_space<hbm>>
    tpu.wait_dma2 semaphore(%arg21 : memref<!tpu.dma_semaphore, #tpu.memory_space<semaphore_mem>>) src(%dma_wait3A_158 : memref<128xi32, #tpu.memory_space<hbm>>) dst(%dma_wait3A_156 : memref<128xi32, #tpu.memory_space<vmem>>)
    %dma_wait3A_159 = arith.constant 3 : i32
    %dma_wait3A_160 = arith.constant 0 : i32
    %dma_wait3A_161 = tpu.memref_slice %arg12[%dma_wait3A_159, %dma_wait3A_160] : memref<4x128xi32, #tpu.memory_space<vmem>> -> memref<1x128xi32, #tpu.memory_space<vmem>>
    %dma_wait3A_162 = tpu.memref_squeeze %dma_wait3A_161 : memref<1x128xi32, #tpu.memory_space<vmem>> -> memref<128xi32, #tpu.memory_space<vmem>>
    %dma_wait3A_163 = arith.constant 0 : i32
    %dma_wait3A_164 = tpu.memref_slice %arg2[%dma_wait3A_163] : memref<16384xi32, #tpu.memory_space<hbm>> -> memref<128xi32, #tpu.memory_space<hbm>>
    %dma_wait3A_165 = arith.constant 0 : i32
    %dma_wait3A_166 = tpu.memref_slice %arg12[%dma_wait3A_159, %dma_wait3A_165] : memref<4x128xi32, #tpu.memory_space<vmem>> -> memref<1x128xi32, #tpu.memory_space<vmem>>
    %dma_wait3A_167 = tpu.memref_squeeze %dma_wait3A_166 : memref<1x128xi32, #tpu.memory_space<vmem>> -> memref<128xi32, #tpu.memory_space<vmem>>
    %dma_wait3A_168 = arith.constant 0 : i32
    %dma_wait3A_169 = tpu.memref_slice %arg2[%dma_wait3A_168] : memref<16384xi32, #tpu.memory_space<hbm>> -> memref<128xi32, #tpu.memory_space<hbm>>
    tpu.wait_dma2 semaphore(%arg21 : memref<!tpu.dma_semaphore, #tpu.memory_space<semaphore_mem>>) src(%dma_wait3A_169 : memref<128xi32, #tpu.memory_space<hbm>>) dst(%dma_wait3A_167 : memref<128xi32, #tpu.memory_space<vmem>>)
    %dma_wait3A_170 = arith.constant 3 : i32
    %dma_wait3A_171 = arith.constant 0 : i32
    %dma_wait3A_172 = tpu.memref_slice %arg13[%dma_wait3A_170, %dma_wait3A_171] : memref<4x128xi32, #tpu.memory_space<vmem>> -> memref<1x128xi32, #tpu.memory_space<vmem>>
    %dma_wait3A_173 = tpu.memref_squeeze %dma_wait3A_172 : memref<1x128xi32, #tpu.memory_space<vmem>> -> memref<128xi32, #tpu.memory_space<vmem>>
    %dma_wait3A_174 = arith.constant 0 : i32
    %dma_wait3A_175 = tpu.memref_slice %arg2[%dma_wait3A_174] : memref<16384xi32, #tpu.memory_space<hbm>> -> memref<128xi32, #tpu.memory_space<hbm>>
    %dma_wait3A_176 = arith.constant 0 : i32
    %dma_wait3A_177 = tpu.memref_slice %arg13[%dma_wait3A_170, %dma_wait3A_176] : memref<4x128xi32, #tpu.memory_space<vmem>> -> memref<1x128xi32, #tpu.memory_space<vmem>>
    %dma_wait3A_178 = tpu.memref_squeeze %dma_wait3A_177 : memref<1x128xi32, #tpu.memory_space<vmem>> -> memref<128xi32, #tpu.memory_space<vmem>>
    %dma_wait3A_179 = arith.constant 0 : i32
    %dma_wait3A_180 = tpu.memref_slice %arg2[%dma_wait3A_179] : memref<16384xi32, #tpu.memory_space<hbm>> -> memref<128xi32, #tpu.memory_space<hbm>>
    tpu.wait_dma2 semaphore(%arg21 : memref<!tpu.dma_semaphore, #tpu.memory_space<semaphore_mem>>) src(%dma_wait3A_180 : memref<128xi32, #tpu.memory_space<hbm>>) dst(%dma_wait3A_178 : memref<128xi32, #tpu.memory_space<vmem>>)
    %dma_start3A_181 = arith.constant 0 : i32
    %dma_start3A_182 = arith.constant 0 : i32
    %dma_start3A_183 = tpu.memref_slice %arg17[%dma_start3A_182] : memref<512xf32, #tpu.memory_space<vmem>> -> memref<128xf32, #tpu.memory_space<vmem>>
    %dma_start3A_184 = arith.constant 0 : i32
    %dma_start3A_185 = tpu.memref_slice %arg12[%dma_start3A_181, %dma_start3A_184] : memref<4x128xi32, #tpu.memory_space<vmem>> -> memref<1x128xi32, #tpu.memory_space<vmem>>
    %dma_start3A_186 = tpu.memref_squeeze %dma_start3A_185 : memref<1x128xi32, #tpu.memory_space<vmem>> -> memref<128xi32, #tpu.memory_space<vmem>>
    %dma_start3A_187 = arith.constant 0 : i32
    %dma_start3A_188 = tpu.memref_slice %arg8[%dma_start3A_187] : memref<100000xf32, #tpu.memory_space<hbm>> -> memref<100000xf32, #tpu.memory_space<hbm>>
    tpu.enqueue_indirect_dma source(%dma_start3A_188 : memref<100000xf32, #tpu.memory_space<hbm>>) target(%dma_start3A_183 : memref<128xf32, #tpu.memory_space<vmem>>) offsets(%dma_start3A_186 : memref<128xi32, #tpu.memory_space<vmem>>) semaphore(%arg20 : memref<!tpu.dma_semaphore, #tpu.memory_space<semaphore_mem>>)
    %dma_start3A_189 = arith.constant 1 : i32
    %dma_start3A_190 = arith.constant 128 : i32
    %dma_start3A_191 = tpu.memref_slice %arg17[%dma_start3A_190] : memref<512xf32, #tpu.memory_space<vmem>> -> memref<128xf32, #tpu.memory_space<vmem>>
    %dma_start3A_192 = arith.constant 0 : i32
    %dma_start3A_193 = tpu.memref_slice %arg12[%dma_start3A_189, %dma_start3A_192] : memref<4x128xi32, #tpu.memory_space<vmem>> -> memref<1x128xi32, #tpu.memory_space<vmem>>
    %dma_start3A_194 = tpu.memref_squeeze %dma_start3A_193 : memref<1x128xi32, #tpu.memory_space<vmem>> -> memref<128xi32, #tpu.memory_space<vmem>>
    %dma_start3A_195 = arith.constant 0 : i32
    %dma_start3A_196 = tpu.memref_slice %arg8[%dma_start3A_195] : memref<100000xf32, #tpu.memory_space<hbm>> -> memref<100000xf32, #tpu.memory_space<hbm>>
    tpu.enqueue_indirect_dma source(%dma_start3A_196 : memref<100000xf32, #tpu.memory_space<hbm>>) target(%dma_start3A_191 : memref<128xf32, #tpu.memory_space<vmem>>) offsets(%dma_start3A_194 : memref<128xi32, #tpu.memory_space<vmem>>) semaphore(%arg20 : memref<!tpu.dma_semaphore, #tpu.memory_space<semaphore_mem>>)
    %dma_start3A_197 = arith.constant 2 : i32
    %dma_start3A_198 = arith.constant 256 : i32
    %dma_start3A_199 = tpu.memref_slice %arg17[%dma_start3A_198] : memref<512xf32, #tpu.memory_space<vmem>> -> memref<128xf32, #tpu.memory_space<vmem>>
    %dma_start3A_200 = arith.constant 0 : i32
    %dma_start3A_201 = tpu.memref_slice %arg12[%dma_start3A_197, %dma_start3A_200] : memref<4x128xi32, #tpu.memory_space<vmem>> -> memref<1x128xi32, #tpu.memory_space<vmem>>
    %dma_start3A_202 = tpu.memref_squeeze %dma_start3A_201 : memref<1x128xi32, #tpu.memory_space<vmem>> -> memref<128xi32, #tpu.memory_space<vmem>>
    %dma_start3A_203 = arith.constant 0 : i32
    %dma_start3A_204 = tpu.memref_slice %arg8[%dma_start3A_203] : memref<100000xf32, #tpu.memory_space<hbm>> -> memref<100000xf32, #tpu.memory_space<hbm>>
    tpu.enqueue_indirect_dma source(%dma_start3A_204 : memref<100000xf32, #tpu.memory_space<hbm>>) target(%dma_start3A_199 : memref<128xf32, #tpu.memory_space<vmem>>) offsets(%dma_start3A_202 : memref<128xi32, #tpu.memory_space<vmem>>) semaphore(%arg20 : memref<!tpu.dma_semaphore, #tpu.memory_space<semaphore_mem>>)
    %dma_start3A_205 = arith.constant 3 : i32
    %dma_start3A_206 = arith.constant 384 : i32
    %dma_start3A_207 = tpu.memref_slice %arg17[%dma_start3A_206] : memref<512xf32, #tpu.memory_space<vmem>> -> memref<128xf32, #tpu.memory_space<vmem>>
    %dma_start3A_208 = arith.constant 0 : i32
    %dma_start3A_209 = tpu.memref_slice %arg12[%dma_start3A_205, %dma_start3A_208] : memref<4x128xi32, #tpu.memory_space<vmem>> -> memref<1x128xi32, #tpu.memory_space<vmem>>
    %dma_start3A_210 = tpu.memref_squeeze %dma_start3A_209 : memref<1x128xi32, #tpu.memory_space<vmem>> -> memref<128xi32, #tpu.memory_space<vmem>>
    %dma_start3A_211 = arith.constant 0 : i32
    %dma_start3A_212 = tpu.memref_slice %arg8[%dma_start3A_211] : memref<100000xf32, #tpu.memory_space<hbm>> -> memref<100000xf32, #tpu.memory_space<hbm>>
    tpu.enqueue_indirect_dma source(%dma_start3A_212 : memref<100000xf32, #tpu.memory_space<hbm>>) target(%dma_start3A_207 : memref<128xf32, #tpu.memory_space<vmem>>) offsets(%dma_start3A_210 : memref<128xi32, #tpu.memory_space<vmem>>) semaphore(%arg20 : memref<!tpu.dma_semaphore, #tpu.memory_space<semaphore_mem>>)
    %iota3A = tpu.iota {dimensions = array<i32: 0>} : vector<16xi32>
    %while3A = arith.constant 0 : i32
    %while3A_213 = arith.constant 0 : i32
    %while3A_214:2 = scf.while (%while3A_320 = %while3A, %while3A_321 = %while3A_213) : (i32, i32) -> (i32, i32) {
      %lt3A = arith.constant 7 : i32
      %lt3A_322 = arith.cmpi slt, %while3A_321, %lt3A : i32
      %lt3A_323 = arith.constant 512 : i32
      %lt3A_324 = arith.cmpi slt, %while3A_320, %lt3A_323 : i32
      %and3A = arith.andi %lt3A_322, %lt3A_324 : i1
      scf.condition(%and3A) %while3A_320, %while3A_321 : i32, i32
    } do {
    ^bb0(%while3A_320: i32, %while3A_321: i32):
      %sub3A = arith.constant 1 : i32
      %sub3A_322 = arith.subi %while3A_320, %sub3A : i32
      %max3A = arith.constant 0 : i32
      %max3A_323 = arith.maxsi %sub3A_322, %max3A : i32
      %get3A = arith.index_cast %while3A_320 : i32 to index
      %get3A_324 = tpu.vector_load %arg10[%get3A] {strides = array<i32>} : memref<528xi32, #tpu.memory_space<vmem>>, vector<16xi32>,
      %slice3A = vector.extract_strided_slice %get3A_324 {offsets = [0], sizes = [1], strides = [1]} : vector<16xi32> to vector<1xi32>
      %squeeze3A = vector.extract %slice3A[0] : i32 from vector<1xi32>
      %jit3A = arith.constant 128 : i32
      %div3A = arith.divsi %squeeze3A, %jit3A : i32
      %sign3A = arith.constant 0 : i32
      %sign3A_325 = arith.cmpi sgt, %squeeze3A, %sign3A : i32
      %sign3A_326 = arith.extui %sign3A_325 : i1 to i32
      %sign3A_327 = arith.constant 0 : i32
      %sign3A_328 = arith.cmpi slt, %squeeze3A, %sign3A_327 : i32
      %sign3A_329 = arith.extui %sign3A_328 : i1 to i32
      %sign3A_330 = arith.subi %sign3A_326, %sign3A_329 : i32
      %sign3A_331 = arith.constant 0 : i32
      %sign3A_332 = arith.cmpi sgt, %jit3A, %sign3A_331 : i32
      %sign3A_333 = arith.extui %sign3A_332 : i1 to i32
      %sign3A_334 = arith.constant 0 : i32
      %sign3A_335 = arith.cmpi slt, %jit3A, %sign3A_334 : i32
      %sign3A_336 = arith.extui %sign3A_335 : i1 to i32
      %sign3A_337 = arith.subi %sign3A_333, %sign3A_336 : i32
      %ne3A = arith.cmpi ne, %sign3A_330, %sign3A_337 : i32
      %rem3A = arith.remsi %squeeze3A, %jit3A : i32
      %ne3A_338 = arith.constant 0 : i32
      %ne3A_339 = arith.cmpi ne, %rem3A, %ne3A_338 : i32
      %and3A = arith.andi %ne3A, %ne3A_339 : i1
      %sub3A_340 = arith.constant 1 : i32
      %sub3A_341 = arith.subi %div3A, %sub3A_340 : i32
      %select_n3A = arith.select %and3A, %sub3A_341, %div3A : i32
      %get3A_342 = arith.index_cast %max3A_323 : i32 to index
      %get3A_343 = tpu.vector_load %arg10[%get3A_342] {strides = array<i32>} : memref<528xi32, #tpu.memory_space<vmem>>, vector<16xi32>,
      %slice3A_344 = vector.extract_strided_slice %get3A_343 {offsets = [0], sizes = [1], strides = [1]} : vector<16xi32> to vector<1xi32>
      %squeeze3A_345 = vector.extract %slice3A_344[0] : i32 from vector<1xi32>
      %jit3A_346 = arith.constant 128 : i32
      %div3A_347 = arith.divsi %squeeze3A_345, %jit3A_346 : i32
      %sign3A_348 = arith.constant 0 : i32
      %sign3A_349 = arith.cmpi sgt, %squeeze3A_345, %sign3A_348 : i32
      %sign3A_350 = arith.extui %sign3A_349 : i1 to i32
      %sign3A_351 = arith.constant 0 : i32
      %sign3A_352 = arith.cmpi slt, %squeeze3A_345, %sign3A_351 : i32
      %sign3A_353 = arith.extui %sign3A_352 : i1 to i32
      %sign3A_354 = arith.subi %sign3A_350, %sign3A_353 : i32
      %sign3A_355 = arith.constant 0 : i32
      %sign3A_356 = arith.cmpi sgt, %jit3A_346, %sign3A_355 : i32
      %sign3A_357 = arith.extui %sign3A_356 : i1 to i32
      %sign3A_358 = arith.constant 0 : i32
      %sign3A_359 = arith.cmpi slt, %jit3A_346, %sign3A_358 : i32
      %sign3A_360 = arith.extui %sign3A_359 : i1 to i32
      %sign3A_361 = arith.subi %sign3A_357, %sign3A_360 : i32
      %ne3A_362 = arith.cmpi ne, %sign3A_354, %sign3A_361 : i32
      %rem3A_363 = arith.remsi %squeeze3A_345, %jit3A_346 : i32
      %ne3A_364 = arith.constant 0 : i32
      %ne3A_365 = arith.cmpi ne, %rem3A_363, %ne3A_364 : i32
      %and3A_366 = arith.andi %ne3A_362, %ne3A_365 : i1
      %sub3A_367 = arith.constant 1 : i32
      %sub3A_368 = arith.subi %div3A_347, %sub3A_367 : i32
      %select_n3A_369 = arith.select %and3A_366, %sub3A_368, %div3A_347 : i32
      %eq3A = arith.cmpi eq, %select_n3A, %select_n3A_369 : i32
      %get3A_370 = arith.index_cast %while3A_320 : i32 to index
      %get3A_371 = tpu.vector_load %arg11[%get3A_370] {strides = array<i32>} : memref<528xi32, #tpu.memory_space<vmem>>, vector<16xi32>,
      %slice3A_372 = vector.extract_strided_slice %get3A_371 {offsets = [0], sizes = [1], strides = [1]} : vector<16xi32> to vector<1xi32>
      %squeeze3A_373 = vector.extract %slice3A_372[0] : i32 from vector<1xi32>
      %get3A_374 = arith.index_cast %max3A_323 : i32 to index
      %get3A_375 = tpu.vector_load %arg11[%get3A_374] {strides = array<i32>} : memref<528xi32, #tpu.memory_space<vmem>>, vector<16xi32>,
      %slice3A_376 = vector.extract_strided_slice %get3A_375 {offsets = [0], sizes = [1], strides = [1]} : vector<16xi32> to vector<1xi32>
      %squeeze3A_377 = vector.extract %slice3A_376[0] : i32 from vector<1xi32>
      %eq3A_378 = arith.cmpi eq, %squeeze3A_373, %squeeze3A_377 : i32
      %and3A_379 = arith.andi %eq3A, %eq3A_378 : i1
      %eq3A_380 = arith.constant 0 : i32
      %eq3A_381 = arith.cmpi eq, %while3A_320, %eq3A_380 : i32
      %convert_element_type3A = arith.extui %and3A_379 : i1 to i32
      %sub3A_382 = arith.constant 1 : i32
      %sub3A_383 = arith.subi %sub3A_382, %convert_element_type3A : i32
      %jit3A_384 = arith.constant 1 : i32
      %select_n3A_385 = arith.select %eq3A_381, %jit3A_384, %sub3A_383 : i32
      %eq3A_386 = arith.constant 1 : i32
      %eq3A_387 = arith.cmpi eq, %select_n3A_385, %eq3A_386 : i32
      %convert_element_type3A_388 = arith.extui %eq3A_387 : i1 to i32
      %cond3A = arith.constant 0 : i32
      %cond3A_389 = arith.cmpi ne, %convert_element_type3A_388, %cond3A : i32
      scf.if %cond3A_389 {
        %get3A_393 = arith.index_cast %while3A_320 : i32 to index
        %get3A_394 = tpu.vector_load %arg11[%get3A_393] {strides = array<i32>} : memref<528xi32, #tpu.memory_space<vmem>>, vector<16xi32>,
        %slice3A_395 = vector.extract_strided_slice %get3A_394 {offsets = [0], sizes = [1], strides = [1]} : vector<16xi32> to vector<1xi32>
        %squeeze3A_396 = vector.extract %slice3A_395[0] : i32 from vector<1xi32>
        %multiple_of3A = tpu.assume_multiple %squeeze3A_396, 64 : i32
        %get3A_397 = arith.index_cast %while3A_320 : i32 to index
        %get3A_398 = tpu.vector_load %arg10[%get3A_397] {strides = array<i32>} : memref<528xi32, #tpu.memory_space<vmem>>, vector<16xi32>,
        %slice3A_399 = vector.extract_strided_slice %get3A_398 {offsets = [0], sizes = [1], strides = [1]} : vector<16xi32> to vector<1xi32>
        %squeeze3A_400 = vector.extract %slice3A_399[0] : i32 from vector<1xi32>
        %jit3A_401 = arith.constant 128 : i32
        %div3A_402 = arith.divsi %squeeze3A_400, %jit3A_401 : i32
        %sign3A_403 = arith.constant 0 : i32
        %sign3A_404 = arith.cmpi sgt, %squeeze3A_400, %sign3A_403 : i32
        %sign3A_405 = arith.extui %sign3A_404 : i1 to i32
        %sign3A_406 = arith.constant 0 : i32
        %sign3A_407 = arith.cmpi slt, %squeeze3A_400, %sign3A_406 : i32
        %sign3A_408 = arith.extui %sign3A_407 : i1 to i32
        %sign3A_409 = arith.subi %sign3A_405, %sign3A_408 : i32
        %sign3A_410 = arith.constant 0 : i32
        %sign3A_411 = arith.cmpi sgt, %jit3A_401, %sign3A_410 : i32
        %sign3A_412 = arith.extui %sign3A_411 : i1 to i32
        %sign3A_413 = arith.constant 0 : i32
        %sign3A_414 = arith.cmpi slt, %jit3A_401, %sign3A_413 : i32
        %sign3A_415 = arith.extui %sign3A_414 : i1 to i32
        %sign3A_416 = arith.subi %sign3A_412, %sign3A_415 : i32
        %ne3A_417 = arith.cmpi ne, %sign3A_409, %sign3A_416 : i32
        %rem3A_418 = arith.remsi %squeeze3A_400, %jit3A_401 : i32
        %ne3A_419 = arith.constant 0 : i32
        %ne3A_420 = arith.cmpi ne, %rem3A_418, %ne3A_419 : i32
        %and3A_421 = arith.andi %ne3A_417, %ne3A_420 : i1
        %sub3A_422 = arith.constant 1 : i32
        %sub3A_423 = arith.subi %div3A_402, %sub3A_422 : i32
        %select_n3A_424 = arith.select %and3A_421, %sub3A_423, %div3A_402 : i32
        %min3A = arith.constant 780 : i32
        %min3A_425 = arith.minsi %select_n3A_424, %min3A : i32
        %mul3A_426 = arith.constant 128 : i32
        %mul3A_427 = arith.muli %min3A_425, %mul3A_426 : i32
        %multiple_of3A_428 = tpu.assume_multiple %mul3A_427, 128 : i32
        %jit3A_429 = arith.constant 7 : i32
        %eq3A_430 = arith.constant 0 : i32
        %eq3A_431 = arith.cmpi eq, %jit3A_429, %eq3A_430 : i32
        %jit3A_432 = arith.constant 1 : i32
        %select_n3A_433 = arith.select %eq3A_431, %jit3A_432, %jit3A_429 : i32
        %rem3A_434 = arith.remsi %while3A_321, %select_n3A_433 : i32
        %ne3A_435 = arith.constant 0 : i32
        %ne3A_436 = arith.cmpi ne, %rem3A_434, %ne3A_435 : i32
        %lt3A = arith.constant 0 : i32
        %lt3A_437 = arith.cmpi slt, %rem3A_434, %lt3A : i32
        %lt3A_438 = arith.constant 0 : i32
        %lt3A_439 = arith.cmpi slt, %select_n3A_433, %lt3A_438 : i32
        %ne3A_440 = arith.xori %lt3A_437, %lt3A_439 : i1
        %and3A_441 = arith.andi %ne3A_440, %ne3A_436 : i1
        %add3A_442 = arith.addi %rem3A_434, %select_n3A_433 : i32
        %select_n3A_443 = arith.select %and3A_441, %add3A_442, %rem3A_434 : i32
        %jit3A_444 = arith.constant 7 : i32
        %eq3A_445 = arith.constant 0 : i32
        %eq3A_446 = arith.cmpi eq, %jit3A_444, %eq3A_445 : i32
        %jit3A_447 = arith.constant 1 : i32
        %select_n3A_448 = arith.select %eq3A_446, %jit3A_447, %jit3A_444 : i32
        %rem3A_449 = arith.remsi %while3A_321, %select_n3A_448 : i32
        %ne3A_450 = arith.constant 0 : i32
        %ne3A_451 = arith.cmpi ne, %rem3A_449, %ne3A_450 : i32
        %lt3A_452 = arith.constant 0 : i32
        %lt3A_453 = arith.cmpi slt, %rem3A_449, %lt3A_452 : i32
        %lt3A_454 = arith.constant 0 : i32
        %lt3A_455 = arith.cmpi slt, %select_n3A_448, %lt3A_454 : i32
        %ne3A_456 = arith.xori %lt3A_453, %lt3A_455 : i1
        %and3A_457 = arith.andi %ne3A_456, %ne3A_451 : i1
        %add3A_458 = arith.addi %rem3A_449, %select_n3A_448 : i32
        %select_n3A_459 = arith.select %and3A_457, %add3A_458, %rem3A_449 : i32
        %dma_start3A_460 = arith.constant 0 : i32
        %dma_start3A_461 = arith.constant 0 : i32
        %dma_start3A_462 = tpu.memref_slice %arg14[%select_n3A_443, %dma_start3A_460, %dma_start3A_461] : memref<7x64x128xf32, #tpu.memory_space<vmem>> -> memref<1x64x128xf32, #tpu.memory_space<vmem>>
        %dma_start3A_463 = tpu.memref_squeeze %dma_start3A_462 : memref<1x64x128xf32, #tpu.memory_space<vmem>> -> memref<64x128xf32, #tpu.memory_space<vmem>>
        %dma_start3A_464 = tpu.memref_slice %arg6[%multiple_of3A, %multiple_of3A_428] : memref<1024x100000xf32, #tpu.memory_space<hbm>> -> memref<64x128xf32, #tpu.memory_space<hbm>>
        %dma_start3A_465 = tpu.memref_slice %arg19[%select_n3A_459] : memref<7x!tpu.dma_semaphore, #tpu.memory_space<semaphore_mem>> -> memref<1x!tpu.dma_semaphore, #tpu.memory_space<semaphore_mem>>
        %dma_start3A_466 = tpu.memref_squeeze %dma_start3A_465 : memref<1x!tpu.dma_semaphore, #tpu.memory_space<semaphore_mem>> -> memref<!tpu.dma_semaphore, #tpu.memory_space<semaphore_mem>>
        %dma_start3A_467 = arith.constant 0 : i32
        %dma_start3A_468 = arith.constant 0 : i32
        %dma_start3A_469 = tpu.memref_slice %arg14[%select_n3A_443, %dma_start3A_467, %dma_start3A_468] : memref<7x64x128xf32, #tpu.memory_space<vmem>> -> memref<1x64x128xf32, #tpu.memory_space<vmem>>
        %dma_start3A_470 = tpu.memref_squeeze %dma_start3A_469 : memref<1x64x128xf32, #tpu.memory_space<vmem>> -> memref<64x128xf32, #tpu.memory_space<vmem>>
        %dma_start3A_471 = tpu.memref_slice %arg6[%multiple_of3A, %multiple_of3A_428] : memref<1024x100000xf32, #tpu.memory_space<hbm>> -> memref<64x128xf32, #tpu.memory_space<hbm>>
        tpu.enqueue_dma source(%dma_start3A_471 : memref<64x128xf32, #tpu.memory_space<hbm>>) target(%dma_start3A_470 : memref<64x128xf32, #tpu.memory_space<vmem>>) target_semaphore(%dma_start3A_466 : memref<!tpu.dma_semaphore, #tpu.memory_space<semaphore_mem>>)
      } else {
      }
      %add3A_390 = arith.constant 1 : i32
      %add3A_391 = arith.addi %while3A_320, %add3A_390 : i32
      %add3A_392 = arith.addi %while3A_321, %select_n3A_385 : i32
      scf.yield %add3A_391, %add3A_392 : i32, i32
    }
    %dma_wait3A_215 = arith.constant 0 : i32
    %dma_wait3A_216 = arith.constant 0 : i32
    %dma_wait3A_217 = tpu.memref_slice %arg17[%dma_wait3A_216] : memref<512xf32, #tpu.memory_space<vmem>> -> memref<128xf32, #tpu.memory_space<vmem>>
    %dma_wait3A_218 = arith.constant 0 : i32
    %dma_wait3A_219 = tpu.memref_slice %arg12[%dma_wait3A_215, %dma_wait3A_218] : memref<4x128xi32, #tpu.memory_space<vmem>> -> memref<1x128xi32, #tpu.memory_space<vmem>>
    %dma_wait3A_220 = tpu.memref_squeeze %dma_wait3A_219 : memref<1x128xi32, #tpu.memory_space<vmem>> -> memref<128xi32, #tpu.memory_space<vmem>>
    %dma_wait3A_221 = arith.constant 0 : i32
    %dma_wait3A_222 = tpu.memref_slice %arg8[%dma_wait3A_221] : memref<100000xf32, #tpu.memory_space<hbm>> -> memref<100000xf32, #tpu.memory_space<hbm>>
    tpu.wait_indirect_dma semaphore(%arg20 : memref<!tpu.dma_semaphore, #tpu.memory_space<semaphore_mem>>) src(%dma_wait3A_222 : memref<100000xf32, #tpu.memory_space<hbm>>) dst(%dma_wait3A_217 : memref<128xf32, #tpu.memory_space<vmem>>)
    %dma_wait3A_223 = arith.constant 1 : i32
    %dma_wait3A_224 = arith.constant 128 : i32
    %dma_wait3A_225 = tpu.memref_slice %arg17[%dma_wait3A_224] : memref<512xf32, #tpu.memory_space<vmem>> -> memref<128xf32, #tpu.memory_space<vmem>>
    %dma_wait3A_226 = arith.constant 0 : i32
    %dma_wait3A_227 = tpu.memref_slice %arg12[%dma_wait3A_223, %dma_wait3A_226] : memref<4x128xi32, #tpu.memory_space<vmem>> -> memref<1x128xi32, #tpu.memory_space<vmem>>
    %dma_wait3A_228 = tpu.memref_squeeze %dma_wait3A_227 : memref<1x128xi32, #tpu.memory_space<vmem>> -> memref<128xi32, #tpu.memory_space<vmem>>
    %dma_wait3A_229 = arith.constant 0 : i32
    %dma_wait3A_230 = tpu.memref_slice %arg8[%dma_wait3A_229] : memref<100000xf32, #tpu.memory_space<hbm>> -> memref<100000xf32, #tpu.memory_space<hbm>>
    tpu.wait_indirect_dma semaphore(%arg20 : memref<!tpu.dma_semaphore, #tpu.memory_space<semaphore_mem>>) src(%dma_wait3A_230 : memref<100000xf32, #tpu.memory_space<hbm>>) dst(%dma_wait3A_225 : memref<128xf32, #tpu.memory_space<vmem>>)
    %dma_wait3A_231 = arith.constant 2 : i32
    %dma_wait3A_232 = arith.constant 256 : i32
    %dma_wait3A_233 = tpu.memref_slice %arg17[%dma_wait3A_232] : memref<512xf32, #tpu.memory_space<vmem>> -> memref<128xf32, #tpu.memory_space<vmem>>
    %dma_wait3A_234 = arith.constant 0 : i32
    %dma_wait3A_235 = tpu.memref_slice %arg12[%dma_wait3A_231, %dma_wait3A_234] : memref<4x128xi32, #tpu.memory_space<vmem>> -> memref<1x128xi32, #tpu.memory_space<vmem>>
    %dma_wait3A_236 = tpu.memref_squeeze %dma_wait3A_235 : memref<1x128xi32, #tpu.memory_space<vmem>> -> memref<128xi32, #tpu.memory_space<vmem>>
    %dma_wait3A_237 = arith.constant 0 : i32
    %dma_wait3A_238 = tpu.memref_slice %arg8[%dma_wait3A_237] : memref<100000xf32, #tpu.memory_space<hbm>> -> memref<100000xf32, #tpu.memory_space<hbm>>
    tpu.wait_indirect_dma semaphore(%arg20 : memref<!tpu.dma_semaphore, #tpu.memory_space<semaphore_mem>>) src(%dma_wait3A_238 : memref<100000xf32, #tpu.memory_space<hbm>>) dst(%dma_wait3A_233 : memref<128xf32, #tpu.memory_space<vmem>>)
    %dma_wait3A_239 = arith.constant 3 : i32
    %dma_wait3A_240 = arith.constant 384 : i32
    %dma_wait3A_241 = tpu.memref_slice %arg17[%dma_wait3A_240] : memref<512xf32, #tpu.memory_space<vmem>> -> memref<128xf32, #tpu.memory_space<vmem>>
    %dma_wait3A_242 = arith.constant 0 : i32
    %dma_wait3A_243 = tpu.memref_slice %arg12[%dma_wait3A_239, %dma_wait3A_242] : memref<4x128xi32, #tpu.memory_space<vmem>> -> memref<1x128xi32, #tpu.memory_space<vmem>>
    %dma_wait3A_244 = tpu.memref_squeeze %dma_wait3A_243 : memref<1x128xi32, #tpu.memory_space<vmem>> -> memref<128xi32, #tpu.memory_space<vmem>>
    %dma_wait3A_245 = arith.constant 0 : i32
    %dma_wait3A_246 = tpu.memref_slice %arg8[%dma_wait3A_245] : memref<100000xf32, #tpu.memory_space<hbm>> -> memref<100000xf32, #tpu.memory_space<hbm>>
    tpu.wait_indirect_dma semaphore(%arg20 : memref<!tpu.dma_semaphore, #tpu.memory_space<semaphore_mem>>) src(%dma_wait3A_246 : memref<100000xf32, #tpu.memory_space<hbm>>) dst(%dma_wait3A_241 : memref<128xf32, #tpu.memory_space<vmem>>)
    %dma_wait3A_247 = tpu.memref_slice %arg5[%mul3A_91] : memref<1048576xf32, #tpu.memory_space<hbm>> -> memref<32768xf32, #tpu.memory_space<hbm>>
    %dma_wait3A_248 = tpu.memref_slice %arg5[%mul3A_91] : memref<1048576xf32, #tpu.memory_space<hbm>> -> memref<32768xf32, #tpu.memory_space<hbm>>
    tpu.wait_dma2 semaphore(%arg22 : memref<!tpu.dma_semaphore, #tpu.memory_space<semaphore_mem>>) src(%dma_wait3A_248 : memref<32768xf32, #tpu.memory_space<hbm>>) dst(%arg16 : memref<32768xf32, #tpu.memory_space<vmem>>)
    tpu.wait_dma2 semaphore(%arg22 : memref<!tpu.dma_semaphore, #tpu.memory_space<semaphore_mem>>) src(%arg7 : memref<32768xf32, #tpu.memory_space<hbm>>) dst(%arg15 : memref<32768xf32, #tpu.memory_space<vmem>>)
    %broadcast_in_dim3A = arith.constant 0.000000e+00 : f32
    %broadcast_in_dim3A_249 = vector.broadcast %broadcast_in_dim3A : f32 to vector<16xf32>
    %scan3A = arith.constant -1 : i32
    %scan3A_250 = arith.constant 0 : i32
    %scan3A_251 = arith.constant 512 : i32
    %scan3A_252 = arith.addi %scan3A_250, %scan3A_251 : i32
    %scan3A_253 = arith.constant 1 : i32
    %scan3A_254:4 = scf.for %scan3A_320 = %scan3A_250 to %scan3A_252 step %scan3A_253 iter_args(%scan3A_321 = %while3A_214#0, %scan3A_322 = %while3A_214#1, %scan3A_323 = %scan3A, %scan3A_324 = %broadcast_in_dim3A_249) -> (i32, i32, i32, vector<16xf32>)  : i32 {
      %sub3A = arith.constant 1 : i32
      %sub3A_325 = arith.subi %scan3A_320, %sub3A : i32
      %max3A = arith.constant 0 : i32
      %max3A_326 = arith.maxsi %sub3A_325, %max3A : i32
      %get3A = arith.index_cast %scan3A_320 : i32 to index
      %get3A_327 = tpu.vector_load %arg10[%get3A] {strides = array<i32>} : memref<528xi32, #tpu.memory_space<vmem>>, vector<16xi32>,
      %slice3A = vector.extract_strided_slice %get3A_327 {offsets = [0], sizes = [1], strides = [1]} : vector<16xi32> to vector<1xi32>
      %squeeze3A = vector.extract %slice3A[0] : i32 from vector<1xi32>
      %jit3A = arith.constant 128 : i32
      %div3A = arith.divsi %squeeze3A, %jit3A : i32
      %sign3A = arith.constant 0 : i32
      %sign3A_328 = arith.cmpi sgt, %squeeze3A, %sign3A : i32
      %sign3A_329 = arith.extui %sign3A_328 : i1 to i32
      %sign3A_330 = arith.constant 0 : i32
      %sign3A_331 = arith.cmpi slt, %squeeze3A, %sign3A_330 : i32
      %sign3A_332 = arith.extui %sign3A_331 : i1 to i32
      %sign3A_333 = arith.subi %sign3A_329, %sign3A_332 : i32
      %sign3A_334 = arith.constant 0 : i32
      %sign3A_335 = arith.cmpi sgt, %jit3A, %sign3A_334 : i32
      %sign3A_336 = arith.extui %sign3A_335 : i1 to i32
      %sign3A_337 = arith.constant 0 : i32
      %sign3A_338 = arith.cmpi slt, %jit3A, %sign3A_337 : i32
      %sign3A_339 = arith.extui %sign3A_338 : i1 to i32
      %sign3A_340 = arith.subi %sign3A_336, %sign3A_339 : i32
      %ne3A = arith.cmpi ne, %sign3A_333, %sign3A_340 : i32
      %rem3A = arith.remsi %squeeze3A, %jit3A : i32
      %ne3A_341 = arith.constant 0 : i32
      %ne3A_342 = arith.cmpi ne, %rem3A, %ne3A_341 : i32
      %and3A = arith.andi %ne3A, %ne3A_342 : i1
      %sub3A_343 = arith.constant 1 : i32
      %sub3A_344 = arith.subi %div3A, %sub3A_343 : i32
      %select_n3A = arith.select %and3A, %sub3A_344, %div3A : i32
      %get3A_345 = arith.index_cast %max3A_326 : i32 to index
      %get3A_346 = tpu.vector_load %arg10[%get3A_345] {strides = array<i32>} : memref<528xi32, #tpu.memory_space<vmem>>, vector<16xi32>,
      %slice3A_347 = vector.extract_strided_slice %get3A_346 {offsets = [0], sizes = [1], strides = [1]} : vector<16xi32> to vector<1xi32>
      %squeeze3A_348 = vector.extract %slice3A_347[0] : i32 from vector<1xi32>
      %jit3A_349 = arith.constant 128 : i32
      %div3A_350 = arith.divsi %squeeze3A_348, %jit3A_349 : i32
      %sign3A_351 = arith.constant 0 : i32
      %sign3A_352 = arith.cmpi sgt, %squeeze3A_348, %sign3A_351 : i32
      %sign3A_353 = arith.extui %sign3A_352 : i1 to i32
      %sign3A_354 = arith.constant 0 : i32
      %sign3A_355 = arith.cmpi slt, %squeeze3A_348, %sign3A_354 : i32
      %sign3A_356 = arith.extui %sign3A_355 : i1 to i32
      %sign3A_357 = arith.subi %sign3A_353, %sign3A_356 : i32
      %sign3A_358 = arith.constant 0 : i32
      %sign3A_359 = arith.cmpi sgt, %jit3A_349, %sign3A_358 : i32
      %sign3A_360 = arith.extui %sign3A_359 : i1 to i32
      %sign3A_361 = arith.constant 0 : i32
      %sign3A_362 = arith.cmpi slt, %jit3A_349, %sign3A_361 : i32
      %sign3A_363 = arith.extui %sign3A_362 : i1 to i32
      %sign3A_364 = arith.subi %sign3A_360, %sign3A_363 : i32
      %ne3A_365 = arith.cmpi ne, %sign3A_357, %sign3A_364 : i32
      %rem3A_366 = arith.remsi %squeeze3A_348, %jit3A_349 : i32
      %ne3A_367 = arith.constant 0 : i32
      %ne3A_368 = arith.cmpi ne, %rem3A_366, %ne3A_367 : i32
      %and3A_369 = arith.andi %ne3A_365, %ne3A_368 : i1
      %sub3A_370 = arith.constant 1 : i32
      %sub3A_371 = arith.subi %div3A_350, %sub3A_370 : i32
      %select_n3A_372 = arith.select %and3A_369, %sub3A_371, %div3A_350 : i32
      %eq3A = arith.cmpi eq, %select_n3A, %select_n3A_372 : i32
      %get3A_373 = arith.index_cast %scan3A_320 : i32 to index
      %get3A_374 = tpu.vector_load %arg11[%get3A_373] {strides = array<i32>} : memref<528xi32, #tpu.memory_space<vmem>>, vector<16xi32>,
      %slice3A_375 = vector.extract_strided_slice %get3A_374 {offsets = [0], sizes = [1], strides = [1]} : vector<16xi32> to vector<1xi32>
      %squeeze3A_376 = vector.extract %slice3A_375[0] : i32 from vector<1xi32>
      %get3A_377 = arith.index_cast %max3A_326 : i32 to index
      %get3A_378 = tpu.vector_load %arg11[%get3A_377] {strides = array<i32>} : memref<528xi32, #tpu.memory_space<vmem>>, vector<16xi32>,
      %slice3A_379 = vector.extract_strided_slice %get3A_378 {offsets = [0], sizes = [1], strides = [1]} : vector<16xi32> to vector<1xi32>
      %squeeze3A_380 = vector.extract %slice3A_379[0] : i32 from vector<1xi32>
      %eq3A_381 = arith.cmpi eq, %squeeze3A_376, %squeeze3A_380 : i32
      %and3A_382 = arith.andi %eq3A, %eq3A_381 : i1
      %eq3A_383 = arith.constant 0 : i32
      %eq3A_384 = arith.cmpi eq, %scan3A_320, %eq3A_383 : i32
      %convert_element_type3A = arith.extui %and3A_382 : i1 to i32
      %sub3A_385 = arith.constant 1 : i32
      %sub3A_386 = arith.subi %sub3A_385, %convert_element_type3A : i32
      %jit3A_387 = arith.constant 1 : i32
      %select_n3A_388 = arith.select %eq3A_384, %jit3A_387, %sub3A_386 : i32
      %add3A_389 = arith.addi %scan3A_323, %select_n3A_388 : i32
      %while3A_390:2 = scf.while (%while3A_488 = %scan3A_321, %while3A_489 = %scan3A_322) : (i32, i32) -> (i32, i32) {
        %add3A_490 = arith.constant 7 : i32
        %add3A_491 = arith.addi %add3A_389, %add3A_490 : i32
        %lt3A_492 = arith.cmpi slt, %while3A_489, %add3A_491 : i32
        %lt3A_493 = arith.constant 512 : i32
        %lt3A_494 = arith.cmpi slt, %while3A_488, %lt3A_493 : i32
        %and3A_495 = arith.andi %lt3A_492, %lt3A_494 : i1
        scf.condition(%and3A_495) %while3A_488, %while3A_489 : i32, i32
      } do {
      ^bb0(%while3A_488: i32, %while3A_489: i32):
        %sub3A_490 = arith.constant 1 : i32
        %sub3A_491 = arith.subi %while3A_488, %sub3A_490 : i32
        %max3A_492 = arith.constant 0 : i32
        %max3A_493 = arith.maxsi %sub3A_491, %max3A_492 : i32
        %get3A_494 = arith.index_cast %while3A_488 : i32 to index
        %get3A_495 = tpu.vector_load %arg10[%get3A_494] {strides = array<i32>} : memref<528xi32, #tpu.memory_space<vmem>>, vector<16xi32>,
        %slice3A_496 = vector.extract_strided_slice %get3A_495 {offsets = [0], sizes = [1], strides = [1]} : vector<16xi32> to vector<1xi32>
        %squeeze3A_497 = vector.extract %slice3A_496[0] : i32 from vector<1xi32>
        %jit3A_498 = arith.constant 128 : i32
        %div3A_499 = arith.divsi %squeeze3A_497, %jit3A_498 : i32
        %sign3A_500 = arith.constant 0 : i32
        %sign3A_501 = arith.cmpi sgt, %squeeze3A_497, %sign3A_500 : i32
        %sign3A_502 = arith.extui %sign3A_501 : i1 to i32
        %sign3A_503 = arith.constant 0 : i32
        %sign3A_504 = arith.cmpi slt, %squeeze3A_497, %sign3A_503 : i32
        %sign3A_505 = arith.extui %sign3A_504 : i1 to i32
        %sign3A_506 = arith.subi %sign3A_502, %sign3A_505 : i32
        %sign3A_507 = arith.constant 0 : i32
        %sign3A_508 = arith.cmpi sgt, %jit3A_498, %sign3A_507 : i32
        %sign3A_509 = arith.extui %sign3A_508 : i1 to i32
        %sign3A_510 = arith.constant 0 : i32
        %sign3A_511 = arith.cmpi slt, %jit3A_498, %sign3A_510 : i32
        %sign3A_512 = arith.extui %sign3A_511 : i1 to i32
        %sign3A_513 = arith.subi %sign3A_509, %sign3A_512 : i32
        %ne3A_514 = arith.cmpi ne, %sign3A_506, %sign3A_513 : i32
        %rem3A_515 = arith.remsi %squeeze3A_497, %jit3A_498 : i32
        %ne3A_516 = arith.constant 0 : i32
        %ne3A_517 = arith.cmpi ne, %rem3A_515, %ne3A_516 : i32
        %and3A_518 = arith.andi %ne3A_514, %ne3A_517 : i1
        %sub3A_519 = arith.constant 1 : i32
        %sub3A_520 = arith.subi %div3A_499, %sub3A_519 : i32
        %select_n3A_521 = arith.select %and3A_518, %sub3A_520, %div3A_499 : i32
        %get3A_522 = arith.index_cast %max3A_493 : i32 to index
        %get3A_523 = tpu.vector_load %arg10[%get3A_522] {strides = array<i32>} : memref<528xi32, #tpu.memory_space<vmem>>, vector<16xi32>,
        %slice3A_524 = vector.extract_strided_slice %get3A_523 {offsets = [0], sizes = [1], strides = [1]} : vector<16xi32> to vector<1xi32>
        %squeeze3A_525 = vector.extract %slice3A_524[0] : i32 from vector<1xi32>
        %jit3A_526 = arith.constant 128 : i32
        %div3A_527 = arith.divsi %squeeze3A_525, %jit3A_526 : i32
        %sign3A_528 = arith.constant 0 : i32
        %sign3A_529 = arith.cmpi sgt, %squeeze3A_525, %sign3A_528 : i32
        %sign3A_530 = arith.extui %sign3A_529 : i1 to i32
        %sign3A_531 = arith.constant 0 : i32
        %sign3A_532 = arith.cmpi slt, %squeeze3A_525, %sign3A_531 : i32
        %sign3A_533 = arith.extui %sign3A_532 : i1 to i32
        %sign3A_534 = arith.subi %sign3A_530, %sign3A_533 : i32
        %sign3A_535 = arith.constant 0 : i32
        %sign3A_536 = arith.cmpi sgt, %jit3A_526, %sign3A_535 : i32
        %sign3A_537 = arith.extui %sign3A_536 : i1 to i32
        %sign3A_538 = arith.constant 0 : i32
        %sign3A_539 = arith.cmpi slt, %jit3A_526, %sign3A_538 : i32
        %sign3A_540 = arith.extui %sign3A_539 : i1 to i32
        %sign3A_541 = arith.subi %sign3A_537, %sign3A_540 : i32
        %ne3A_542 = arith.cmpi ne, %sign3A_534, %sign3A_541 : i32
        %rem3A_543 = arith.remsi %squeeze3A_525, %jit3A_526 : i32
        %ne3A_544 = arith.constant 0 : i32
        %ne3A_545 = arith.cmpi ne, %rem3A_543, %ne3A_544 : i32
        %and3A_546 = arith.andi %ne3A_542, %ne3A_545 : i1
        %sub3A_547 = arith.constant 1 : i32
        %sub3A_548 = arith.subi %div3A_527, %sub3A_547 : i32
        %select_n3A_549 = arith.select %and3A_546, %sub3A_548, %div3A_527 : i32
        %eq3A_550 = arith.cmpi eq, %select_n3A_521, %select_n3A_549 : i32
        %get3A_551 = arith.index_cast %while3A_488 : i32 to index
        %get3A_552 = tpu.vector_load %arg11[%get3A_551] {strides = array<i32>} : memref<528xi32, #tpu.memory_space<vmem>>, vector<16xi32>,
        %slice3A_553 = vector.extract_strided_slice %get3A_552 {offsets = [0], sizes = [1], strides = [1]} : vector<16xi32> to vector<1xi32>
        %squeeze3A_554 = vector.extract %slice3A_553[0] : i32 from vector<1xi32>
        %get3A_555 = arith.index_cast %max3A_493 : i32 to index
        %get3A_556 = tpu.vector_load %arg11[%get3A_555] {strides = array<i32>} : memref<528xi32, #tpu.memory_space<vmem>>, vector<16xi32>,
        %slice3A_557 = vector.extract_strided_slice %get3A_556 {offsets = [0], sizes = [1], strides = [1]} : vector<16xi32> to vector<1xi32>
        %squeeze3A_558 = vector.extract %slice3A_557[0] : i32 from vector<1xi32>
        %eq3A_559 = arith.cmpi eq, %squeeze3A_554, %squeeze3A_558 : i32
        %and3A_560 = arith.andi %eq3A_550, %eq3A_559 : i1
        %eq3A_561 = arith.constant 0 : i32
        %eq3A_562 = arith.cmpi eq, %while3A_488, %eq3A_561 : i32
        %convert_element_type3A_563 = arith.extui %and3A_560 : i1 to i32
        %sub3A_564 = arith.constant 1 : i32
        %sub3A_565 = arith.subi %sub3A_564, %convert_element_type3A_563 : i32
        %jit3A_566 = arith.constant 1 : i32
        %select_n3A_567 = arith.select %eq3A_562, %jit3A_566, %sub3A_565 : i32
        %eq3A_568 = arith.constant 1 : i32
        %eq3A_569 = arith.cmpi eq, %select_n3A_567, %eq3A_568 : i32
        %convert_element_type3A_570 = arith.extui %eq3A_569 : i1 to i32
        %cond3A_571 = arith.constant 0 : i32
        %cond3A_572 = arith.cmpi ne, %convert_element_type3A_570, %cond3A_571 : i32
        scf.if %cond3A_572 {
          %get3A_576 = arith.index_cast %while3A_488 : i32 to index
          %get3A_577 = tpu.vector_load %arg11[%get3A_576] {strides = array<i32>} : memref<528xi32, #tpu.memory_space<vmem>>, vector<16xi32>,
          %slice3A_578 = vector.extract_strided_slice %get3A_577 {offsets = [0], sizes = [1], strides = [1]} : vector<16xi32> to vector<1xi32>
          %squeeze3A_579 = vector.extract %slice3A_578[0] : i32 from vector<1xi32>
          %multiple_of3A = tpu.assume_multiple %squeeze3A_579, 64 : i32
          %get3A_580 = arith.index_cast %while3A_488 : i32 to index
          %get3A_581 = tpu.vector_load %arg10[%get3A_580] {strides = array<i32>} : memref<528xi32, #tpu.memory_space<vmem>>, vector<16xi32>,
          %slice3A_582 = vector.extract_strided_slice %get3A_581 {offsets = [0], sizes = [1], strides = [1]} : vector<16xi32> to vector<1xi32>
          %squeeze3A_583 = vector.extract %slice3A_582[0] : i32 from vector<1xi32>
          %jit3A_584 = arith.constant 128 : i32
          %div3A_585 = arith.divsi %squeeze3A_583, %jit3A_584 : i32
          %sign3A_586 = arith.constant 0 : i32
          %sign3A_587 = arith.cmpi sgt, %squeeze3A_583, %sign3A_586 : i32
          %sign3A_588 = arith.extui %sign3A_587 : i1 to i32
          %sign3A_589 = arith.constant 0 : i32
          %sign3A_590 = arith.cmpi slt, %squeeze3A_583, %sign3A_589 : i32
          %sign3A_591 = arith.extui %sign3A_590 : i1 to i32
          %sign3A_592 = arith.subi %sign3A_588, %sign3A_591 : i32
          %sign3A_593 = arith.constant 0 : i32
          %sign3A_594 = arith.cmpi sgt, %jit3A_584, %sign3A_593 : i32
          %sign3A_595 = arith.extui %sign3A_594 : i1 to i32
          %sign3A_596 = arith.constant 0 : i32
          %sign3A_597 = arith.cmpi slt, %jit3A_584, %sign3A_596 : i32
          %sign3A_598 = arith.extui %sign3A_597 : i1 to i32
          %sign3A_599 = arith.subi %sign3A_595, %sign3A_598 : i32
          %ne3A_600 = arith.cmpi ne, %sign3A_592, %sign3A_599 : i32
          %rem3A_601 = arith.remsi %squeeze3A_583, %jit3A_584 : i32
          %ne3A_602 = arith.constant 0 : i32
          %ne3A_603 = arith.cmpi ne, %rem3A_601, %ne3A_602 : i32
          %and3A_604 = arith.andi %ne3A_600, %ne3A_603 : i1
          %sub3A_605 = arith.constant 1 : i32
          %sub3A_606 = arith.subi %div3A_585, %sub3A_605 : i32
          %select_n3A_607 = arith.select %and3A_604, %sub3A_606, %div3A_585 : i32
          %min3A = arith.constant 780 : i32
          %min3A_608 = arith.minsi %select_n3A_607, %min3A : i32
          %mul3A_609 = arith.constant 128 : i32
          %mul3A_610 = arith.muli %min3A_608, %mul3A_609 : i32
          %multiple_of3A_611 = tpu.assume_multiple %mul3A_610, 128 : i32
          %jit3A_612 = arith.constant 7 : i32
          %eq3A_613 = arith.constant 0 : i32
          %eq3A_614 = arith.cmpi eq, %jit3A_612, %eq3A_613 : i32
          %jit3A_615 = arith.constant 1 : i32
          %select_n3A_616 = arith.select %eq3A_614, %jit3A_615, %jit3A_612 : i32
          %rem3A_617 = arith.remsi %while3A_489, %select_n3A_616 : i32
          %ne3A_618 = arith.constant 0 : i32
          %ne3A_619 = arith.cmpi ne, %rem3A_617, %ne3A_618 : i32
          %lt3A_620 = arith.constant 0 : i32
          %lt3A_621 = arith.cmpi slt, %rem3A_617, %lt3A_620 : i32
          %lt3A_622 = arith.constant 0 : i32
          %lt3A_623 = arith.cmpi slt, %select_n3A_616, %lt3A_622 : i32
          %ne3A_624 = arith.xori %lt3A_621, %lt3A_623 : i1
          %and3A_625 = arith.andi %ne3A_624, %ne3A_619 : i1
          %add3A_626 = arith.addi %rem3A_617, %select_n3A_616 : i32
          %select_n3A_627 = arith.select %and3A_625, %add3A_626, %rem3A_617 : i32
          %jit3A_628 = arith.constant 7 : i32
          %eq3A_629 = arith.constant 0 : i32
          %eq3A_630 = arith.cmpi eq, %jit3A_628, %eq3A_629 : i32
          %jit3A_631 = arith.constant 1 : i32
          %select_n3A_632 = arith.select %eq3A_630, %jit3A_631, %jit3A_628 : i32
          %rem3A_633 = arith.remsi %while3A_489, %select_n3A_632 : i32
          %ne3A_634 = arith.constant 0 : i32
          %ne3A_635 = arith.cmpi ne, %rem3A_633, %ne3A_634 : i32
          %lt3A_636 = arith.constant 0 : i32
          %lt3A_637 = arith.cmpi slt, %rem3A_633, %lt3A_636 : i32
          %lt3A_638 = arith.constant 0 : i32
          %lt3A_639 = arith.cmpi slt, %select_n3A_632, %lt3A_638 : i32
          %ne3A_640 = arith.xori %lt3A_637, %lt3A_639 : i1
          %and3A_641 = arith.andi %ne3A_640, %ne3A_635 : i1
          %add3A_642 = arith.addi %rem3A_633, %select_n3A_632 : i32
          %select_n3A_643 = arith.select %and3A_641, %add3A_642, %rem3A_633 : i32
          %dma_start3A_644 = arith.constant 0 : i32
          %dma_start3A_645 = arith.constant 0 : i32
          %dma_start3A_646 = tpu.memref_slice %arg14[%select_n3A_627, %dma_start3A_644, %dma_start3A_645] : memref<7x64x128xf32, #tpu.memory_space<vmem>> -> memref<1x64x128xf32, #tpu.memory_space<vmem>>
          %dma_start3A_647 = tpu.memref_squeeze %dma_start3A_646 : memref<1x64x128xf32, #tpu.memory_space<vmem>> -> memref<64x128xf32, #tpu.memory_space<vmem>>
          %dma_start3A_648 = tpu.memref_slice %arg6[%multiple_of3A, %multiple_of3A_611] : memref<1024x100000xf32, #tpu.memory_space<hbm>> -> memref<64x128xf32, #tpu.memory_space<hbm>>
          %dma_start3A_649 = tpu.memref_slice %arg19[%select_n3A_643] : memref<7x!tpu.dma_semaphore, #tpu.memory_space<semaphore_mem>> -> memref<1x!tpu.dma_semaphore, #tpu.memory_space<semaphore_mem>>
          %dma_start3A_650 = tpu.memref_squeeze %dma_start3A_649 : memref<1x!tpu.dma_semaphore, #tpu.memory_space<semaphore_mem>> -> memref<!tpu.dma_semaphore, #tpu.memory_space<semaphore_mem>>
          %dma_start3A_651 = arith.constant 0 : i32
          %dma_start3A_652 = arith.constant 0 : i32
          %dma_start3A_653 = tpu.memref_slice %arg14[%select_n3A_627, %dma_start3A_651, %dma_start3A_652] : memref<7x64x128xf32, #tpu.memory_space<vmem>> -> memref<1x64x128xf32, #tpu.memory_space<vmem>>
          %dma_start3A_654 = tpu.memref_squeeze %dma_start3A_653 : memref<1x64x128xf32, #tpu.memory_space<vmem>> -> memref<64x128xf32, #tpu.memory_space<vmem>>
          %dma_start3A_655 = tpu.memref_slice %arg6[%multiple_of3A, %multiple_of3A_611] : memref<1024x100000xf32, #tpu.memory_space<hbm>> -> memref<64x128xf32, #tpu.memory_space<hbm>>
          tpu.enqueue_dma source(%dma_start3A_655 : memref<64x128xf32, #tpu.memory_space<hbm>>) target(%dma_start3A_654 : memref<64x128xf32, #tpu.memory_space<vmem>>) target_semaphore(%dma_start3A_650 : memref<!tpu.dma_semaphore, #tpu.memory_space<semaphore_mem>>)
        } else {
        }
        %add3A_573 = arith.constant 1 : i32
        %add3A_574 = arith.addi %while3A_488, %add3A_573 : i32
        %add3A_575 = arith.addi %while3A_489, %select_n3A_567 : i32
        scf.yield %add3A_574, %add3A_575 : i32, i32
      }
      %eq3A_391 = arith.constant 1 : i32
      %eq3A_392 = arith.cmpi eq, %select_n3A_388, %eq3A_391 : i32
      %convert_element_type3A_393 = arith.extui %eq3A_392 : i1 to i32
      %cond3A = arith.constant 0 : i32
      %cond3A_394 = arith.cmpi ne, %convert_element_type3A_393, %cond3A : i32
      scf.if %cond3A_394 {
        %jit3A_488 = arith.constant 7 : i32
        %eq3A_489 = arith.constant 0 : i32
        %eq3A_490 = arith.cmpi eq, %jit3A_488, %eq3A_489 : i32
        %jit3A_491 = arith.constant 1 : i32
        %select_n3A_492 = arith.select %eq3A_490, %jit3A_491, %jit3A_488 : i32
        %rem3A_493 = arith.remsi %add3A_389, %select_n3A_492 : i32
        %ne3A_494 = arith.constant 0 : i32
        %ne3A_495 = arith.cmpi ne, %rem3A_493, %ne3A_494 : i32
        %lt3A_496 = arith.constant 0 : i32
        %lt3A_497 = arith.cmpi slt, %rem3A_493, %lt3A_496 : i32
        %lt3A_498 = arith.constant 0 : i32
        %lt3A_499 = arith.cmpi slt, %select_n3A_492, %lt3A_498 : i32
        %ne3A_500 = arith.xori %lt3A_497, %lt3A_499 : i1
        %and3A_501 = arith.andi %ne3A_500, %ne3A_495 : i1
        %add3A_502 = arith.addi %rem3A_493, %select_n3A_492 : i32
        %select_n3A_503 = arith.select %and3A_501, %add3A_502, %rem3A_493 : i32
        %jit3A_504 = arith.constant 7 : i32
        %eq3A_505 = arith.constant 0 : i32
        %eq3A_506 = arith.cmpi eq, %jit3A_504, %eq3A_505 : i32
        %jit3A_507 = arith.constant 1 : i32
        %select_n3A_508 = arith.select %eq3A_506, %jit3A_507, %jit3A_504 : i32
        %rem3A_509 = arith.remsi %add3A_389, %select_n3A_508 : i32
        %ne3A_510 = arith.constant 0 : i32
        %ne3A_511 = arith.cmpi ne, %rem3A_509, %ne3A_510 : i32
        %lt3A_512 = arith.constant 0 : i32
        %lt3A_513 = arith.cmpi slt, %rem3A_509, %lt3A_512 : i32
        %lt3A_514 = arith.constant 0 : i32
        %lt3A_515 = arith.cmpi slt, %select_n3A_508, %lt3A_514 : i32
        %ne3A_516 = arith.xori %lt3A_513, %lt3A_515 : i1
        %and3A_517 = arith.andi %ne3A_516, %ne3A_511 : i1
        %add3A_518 = arith.addi %rem3A_509, %select_n3A_508 : i32
        %select_n3A_519 = arith.select %and3A_517, %add3A_518, %rem3A_509 : i32
        %dma_wait3A_520 = arith.constant 0 : i32
        %dma_wait3A_521 = arith.constant 0 : i32
        %dma_wait3A_522 = tpu.memref_slice %arg14[%select_n3A_503, %dma_wait3A_520, %dma_wait3A_521] : memref<7x64x128xf32, #tpu.memory_space<vmem>> -> memref<1x64x128xf32, #tpu.memory_space<vmem>>
        %dma_wait3A_523 = tpu.memref_squeeze %dma_wait3A_522 : memref<1x64x128xf32, #tpu.memory_space<vmem>> -> memref<64x128xf32, #tpu.memory_space<vmem>>
        %dma_wait3A_524 = arith.constant 0 : i32
        %dma_wait3A_525 = arith.constant 0 : i32
        %dma_wait3A_526 = tpu.memref_slice %arg6[%dma_wait3A_524, %dma_wait3A_525] : memref<1024x100000xf32, #tpu.memory_space<hbm>> -> memref<64x128xf32, #tpu.memory_space<hbm>>
        %dma_wait3A_527 = tpu.memref_slice %arg19[%select_n3A_519] : memref<7x!tpu.dma_semaphore, #tpu.memory_space<semaphore_mem>> -> memref<1x!tpu.dma_semaphore, #tpu.memory_space<semaphore_mem>>
        %dma_wait3A_528 = tpu.memref_squeeze %dma_wait3A_527 : memref<1x!tpu.dma_semaphore, #tpu.memory_space<semaphore_mem>> -> memref<!tpu.dma_semaphore, #tpu.memory_space<semaphore_mem>>
        %dma_wait3A_529 = arith.constant 0 : i32
        %dma_wait3A_530 = arith.constant 0 : i32
        %dma_wait3A_531 = tpu.memref_slice %arg14[%select_n3A_503, %dma_wait3A_529, %dma_wait3A_530] : memref<7x64x128xf32, #tpu.memory_space<vmem>> -> memref<1x64x128xf32, #tpu.memory_space<vmem>>
        %dma_wait3A_532 = tpu.memref_squeeze %dma_wait3A_531 : memref<1x64x128xf32, #tpu.memory_space<vmem>> -> memref<64x128xf32, #tpu.memory_space<vmem>>
        %dma_wait3A_533 = arith.constant 0 : i32
        %dma_wait3A_534 = arith.constant 0 : i32
        %dma_wait3A_535 = tpu.memref_slice %arg6[%dma_wait3A_533, %dma_wait3A_534] : memref<1024x100000xf32, #tpu.memory_space<hbm>> -> memref<64x128xf32, #tpu.memory_space<hbm>>
        tpu.wait_dma2 semaphore(%dma_wait3A_528 : memref<!tpu.dma_semaphore, #tpu.memory_space<semaphore_mem>>) src(%dma_wait3A_535 : memref<64x128xf32, #tpu.memory_space<hbm>>) dst(%dma_wait3A_532 : memref<64x128xf32, #tpu.memory_space<vmem>>)
      } else {
      }
      %jit3A_395 = arith.constant 7 : i32
      %eq3A_396 = arith.constant 0 : i32
      %eq3A_397 = arith.cmpi eq, %jit3A_395, %eq3A_396 : i32
      %jit3A_398 = arith.constant 1 : i32
      %select_n3A_399 = arith.select %eq3A_397, %jit3A_398, %jit3A_395 : i32
      %rem3A_400 = arith.remsi %add3A_389, %select_n3A_399 : i32
      %ne3A_401 = arith.constant 0 : i32
      %ne3A_402 = arith.cmpi ne, %rem3A_400, %ne3A_401 : i32
      %lt3A = arith.constant 0 : i32
      %lt3A_403 = arith.cmpi slt, %rem3A_400, %lt3A : i32
      %lt3A_404 = arith.constant 0 : i32
      %lt3A_405 = arith.cmpi slt, %select_n3A_399, %lt3A_404 : i32
      %ne3A_406 = arith.xori %lt3A_403, %lt3A_405 : i1
      %and3A_407 = arith.andi %ne3A_406, %ne3A_402 : i1
      %add3A_408 = arith.addi %rem3A_400, %select_n3A_399 : i32
      %select_n3A_409 = arith.select %and3A_407, %add3A_408, %rem3A_400 : i32
      %get3A_410 = arith.index_cast %scan3A_320 : i32 to index
      %get3A_411 = tpu.vector_load %arg10[%get3A_410] {strides = array<i32>} : memref<528xi32, #tpu.memory_space<vmem>>, vector<16xi32>,
      %slice3A_412 = vector.extract_strided_slice %get3A_411 {offsets = [0], sizes = [1], strides = [1]} : vector<16xi32> to vector<1xi32>
      %squeeze3A_413 = vector.extract %slice3A_412[0] : i32 from vector<1xi32>
      %mul3A_414 = arith.constant 64 : i32
      %mul3A_415 = arith.muli %scan3A_320, %mul3A_414 : i32
      %add3A_416 = arith.constant 0 : i32
      %add3A_417 = arith.addi %mul3A_415, %add3A_416 : i32
      %get3A_418 = arith.index_cast %add3A_417 : i32 to index
      %get3A_419 = tpu.vector_load %arg16[%get3A_418] {strides = array<i32>} : memref<32768xf32, #tpu.memory_space<vmem>>, vector<16xf32>,
      %mul3A_420 = arith.constant 64 : i32
      %mul3A_421 = arith.muli %scan3A_320, %mul3A_420 : i32
      %add3A_422 = arith.constant 16 : i32
      %add3A_423 = arith.addi %mul3A_421, %add3A_422 : i32
      %get3A_424 = arith.index_cast %add3A_423 : i32 to index
      %get3A_425 = tpu.vector_load %arg16[%get3A_424] {strides = array<i32>} : memref<32768xf32, #tpu.memory_space<vmem>>, vector<16xf32>,
      %mul3A_426 = arith.constant 64 : i32
      %mul3A_427 = arith.muli %scan3A_320, %mul3A_426 : i32
      %add3A_428 = arith.constant 32 : i32
      %add3A_429 = arith.addi %mul3A_427, %add3A_428 : i32
      %get3A_430 = arith.index_cast %add3A_429 : i32 to index
      %get3A_431 = tpu.vector_load %arg16[%get3A_430] {strides = array<i32>} : memref<32768xf32, #tpu.memory_space<vmem>>, vector<16xf32>,
      %mul3A_432 = arith.constant 64 : i32
      %mul3A_433 = arith.muli %scan3A_320, %mul3A_432 : i32
      %add3A_434 = arith.constant 48 : i32
      %add3A_435 = arith.addi %mul3A_433, %add3A_434 : i32
      %get3A_436 = arith.index_cast %add3A_435 : i32 to index
      %get3A_437 = tpu.vector_load %arg16[%get3A_436] {strides = array<i32>} : memref<32768xf32, #tpu.memory_space<vmem>>, vector<16xf32>,
      %lt3A_438 = arith.constant 99968 : i32
      %lt3A_439 = arith.cmpi slt, %squeeze3A_413, %lt3A_438 : i32
      %convert_element_type3A_440 = arith.extui %lt3A_439 : i1 to i32
      %cond3A_441 = arith.constant 0 : i32
      %cond3A_442 = arith.cmpi ne, %convert_element_type3A_440, %cond3A_441 : i32
      %cond3A_443 = scf.if %cond3A_442 -> (vector<16xf32>) {
        %jit3A_488 = arith.constant 128 : i32
        %eq3A_489 = arith.constant 0 : i32
        %eq3A_490 = arith.cmpi eq, %jit3A_488, %eq3A_489 : i32
        %jit3A_491 = arith.constant 1 : i32
        %select_n3A_492 = arith.select %eq3A_490, %jit3A_491, %jit3A_488 : i32
        %rem3A_493 = arith.remsi %squeeze3A_413, %select_n3A_492 : i32
        %ne3A_494 = arith.constant 0 : i32
        %ne3A_495 = arith.cmpi ne, %rem3A_493, %ne3A_494 : i32
        %lt3A_496 = arith.constant 0 : i32
        %lt3A_497 = arith.cmpi slt, %rem3A_493, %lt3A_496 : i32
        %lt3A_498 = arith.constant 0 : i32
        %lt3A_499 = arith.cmpi slt, %select_n3A_492, %lt3A_498 : i32
        %ne3A_500 = arith.xori %lt3A_497, %lt3A_499 : i1
        %and3A_501 = arith.andi %ne3A_500, %ne3A_495 : i1
        %add3A_502 = arith.addi %rem3A_493, %select_n3A_492 : i32
        %select_n3A_503 = arith.select %and3A_501, %add3A_502, %rem3A_493 : i32
        %broadcast_in_dim3A_504 = vector.broadcast %select_n3A_503 : i32 to vector<16xi32>
        %gather3A = arith.constant 0 : i32
        %gather3A_505 = arith.constant 0 : i32
        %gather3A_506 = tpu.memref_slice %arg14[%select_n3A_409, %gather3A, %gather3A_505] : memref<7x64x128xf32, #tpu.memory_space<vmem>> -> memref<1x64x128xf32, #tpu.memory_space<vmem>>
        %gather3A_507 = tpu.memref_squeeze %gather3A_506 : memref<1x64x128xf32, #tpu.memory_space<vmem>> -> memref<64x128xf32, #tpu.memory_space<vmem>>
        %gather3A_508 = tpu.vector_load_idx %gather3A_507[%iota3A, %broadcast_in_dim3A_504] : memref<64x128xf32, #tpu.memory_space<vmem>>[vector<16xi32>, vector<16xi32>], vector<16xf32>,
        %mul3A_509 = arith.mulf %gather3A_508, %get3A_419 : vector<16xf32>
        %add3A_510 = arith.constant 16 : i32
        %add3A_511 = vector.broadcast %add3A_510 : i32 to vector<16xi32>
        %add3A_512 = arith.addi %add3A_511, %iota3A : vector<16xi32>
        %gather3A_513 = arith.constant 0 : i32
        %gather3A_514 = arith.constant 0 : i32
        %gather3A_515 = tpu.memref_slice %arg14[%select_n3A_409, %gather3A_513, %gather3A_514] : memref<7x64x128xf32, #tpu.memory_space<vmem>> -> memref<1x64x128xf32, #tpu.memory_space<vmem>>
        %gather3A_516 = tpu.memref_squeeze %gather3A_515 : memref<1x64x128xf32, #tpu.memory_space<vmem>> -> memref<64x128xf32, #tpu.memory_space<vmem>>
        %gather3A_517 = tpu.vector_load_idx %gather3A_516[%add3A_512, %broadcast_in_dim3A_504] : memref<64x128xf32, #tpu.memory_space<vmem>>[vector<16xi32>, vector<16xi32>], vector<16xf32>,
        %mul3A_518 = arith.mulf %gather3A_517, %get3A_425 : vector<16xf32>
        %add3A_519 = arith.addf %mul3A_509, %mul3A_518 : vector<16xf32>
        %add3A_520 = arith.constant 32 : i32
        %add3A_521 = vector.broadcast %add3A_520 : i32 to vector<16xi32>
        %add3A_522 = arith.addi %add3A_521, %iota3A : vector<16xi32>
        %gather3A_523 = arith.constant 0 : i32
        %gather3A_524 = arith.constant 0 : i32
        %gather3A_525 = tpu.memref_slice %arg14[%select_n3A_409, %gather3A_523, %gather3A_524] : memref<7x64x128xf32, #tpu.memory_space<vmem>> -> memref<1x64x128xf32, #tpu.memory_space<vmem>>
        %gather3A_526 = tpu.memref_squeeze %gather3A_525 : memref<1x64x128xf32, #tpu.memory_space<vmem>> -> memref<64x128xf32, #tpu.memory_space<vmem>>
        %gather3A_527 = tpu.vector_load_idx %gather3A_526[%add3A_522, %broadcast_in_dim3A_504] : memref<64x128xf32, #tpu.memory_space<vmem>>[vector<16xi32>, vector<16xi32>], vector<16xf32>,
        %mul3A_528 = arith.mulf %gather3A_527, %get3A_431 : vector<16xf32>
        %add3A_529 = arith.addf %add3A_519, %mul3A_528 : vector<16xf32>
        %add3A_530 = arith.constant 48 : i32
        %add3A_531 = vector.broadcast %add3A_530 : i32 to vector<16xi32>
        %add3A_532 = arith.addi %add3A_531, %iota3A : vector<16xi32>
        %gather3A_533 = arith.constant 0 : i32
        %gather3A_534 = arith.constant 0 : i32
        %gather3A_535 = tpu.memref_slice %arg14[%select_n3A_409, %gather3A_533, %gather3A_534] : memref<7x64x128xf32, #tpu.memory_space<vmem>> -> memref<1x64x128xf32, #tpu.memory_space<vmem>>
        %gather3A_536 = tpu.memref_squeeze %gather3A_535 : memref<1x64x128xf32, #tpu.memory_space<vmem>> -> memref<64x128xf32, #tpu.memory_space<vmem>>
        %gather3A_537 = tpu.vector_load_idx %gather3A_536[%add3A_532, %broadcast_in_dim3A_504] : memref<64x128xf32, #tpu.memory_space<vmem>>[vector<16xi32>, vector<16xi32>], vector<16xf32>,
        %mul3A_538 = arith.mulf %gather3A_537, %get3A_437 : vector<16xf32>
        %add3A_539 = arith.addf %add3A_529, %mul3A_538 : vector<16xf32>
        scf.yield %add3A_539 : vector<16xf32>
      } else {
        %get3A_488 = arith.index_cast %scan3A_320 : i32 to index
        %get3A_489 = tpu.vector_load %arg11[%get3A_488] {strides = array<i32>} : memref<528xi32, #tpu.memory_space<vmem>>, vector<16xi32>,
        %slice3A_490 = vector.extract_strided_slice %get3A_489 {offsets = [0], sizes = [1], strides = [1]} : vector<16xi32> to vector<1xi32>
        %squeeze3A_491 = vector.extract %slice3A_490[0] : i32 from vector<1xi32>
        %mul3A_492 = arith.constant 32 : i32
        %mul3A_493 = arith.muli %squeeze3A_491, %mul3A_492 : i32
        %sub3A_494 = arith.constant 99968 : i32
        %sub3A_495 = arith.subi %squeeze3A_413, %sub3A_494 : i32
        %add3A_496 = arith.addi %mul3A_493, %sub3A_495 : i32
        %broadcast_in_dim3A_497 = vector.broadcast %add3A_496 : i32 to vector<16xi32>
        %mul3A_498 = arith.constant 32 : i32
        %mul3A_499 = vector.broadcast %mul3A_498 : i32 to vector<16xi32>
        %mul3A_500 = arith.muli %iota3A, %mul3A_499 : vector<16xi32>
        %add3A_501 = arith.addi %broadcast_in_dim3A_497, %mul3A_500 : vector<16xi32>
        %gather3A = tpu.vector_load_idx %arg15[%add3A_501] : memref<32768xf32, #tpu.memory_space<vmem>>[vector<16xi32>], vector<16xf32>,
        %mul3A_502 = arith.mulf %gather3A, %get3A_419 : vector<16xf32>
        %add3A_503 = arith.constant 512 : i32
        %add3A_504 = vector.broadcast %add3A_503 : i32 to vector<16xi32>
        %add3A_505 = arith.addi %add3A_501, %add3A_504 : vector<16xi32>
        %gather3A_506 = tpu.vector_load_idx %arg15[%add3A_505] : memref<32768xf32, #tpu.memory_space<vmem>>[vector<16xi32>], vector<16xf32>,
        %mul3A_507 = arith.mulf %gather3A_506, %get3A_425 : vector<16xf32>
        %add3A_508 = arith.addf %mul3A_502, %mul3A_507 : vector<16xf32>
        %add3A_509 = arith.constant 1024 : i32
        %add3A_510 = vector.broadcast %add3A_509 : i32 to vector<16xi32>
        %add3A_511 = arith.addi %add3A_501, %add3A_510 : vector<16xi32>
        %gather3A_512 = tpu.vector_load_idx %arg15[%add3A_511] : memref<32768xf32, #tpu.memory_space<vmem>>[vector<16xi32>], vector<16xf32>,
        %mul3A_513 = arith.mulf %gather3A_512, %get3A_431 : vector<16xf32>
        %add3A_514 = arith.addf %add3A_508, %mul3A_513 : vector<16xf32>
        %add3A_515 = arith.constant 1536 : i32
        %add3A_516 = vector.broadcast %add3A_515 : i32 to vector<16xi32>
        %add3A_517 = arith.addi %add3A_501, %add3A_516 : vector<16xi32>
        %gather3A_518 = tpu.vector_load_idx %arg15[%add3A_517] : memref<32768xf32, #tpu.memory_space<vmem>>[vector<16xi32>], vector<16xf32>,
        %mul3A_519 = arith.mulf %gather3A_518, %get3A_437 : vector<16xf32>
        %add3A_520 = arith.addf %add3A_514, %mul3A_519 : vector<16xf32>
        scf.yield %add3A_520 : vector<16xf32>
      }
      %jit3A_444 = arith.constant 16 : i32
      %eq3A_445 = arith.constant 0 : i32
      %eq3A_446 = arith.cmpi eq, %jit3A_444, %eq3A_445 : i32
      %jit3A_447 = arith.constant 1 : i32
      %select_n3A_448 = arith.select %eq3A_446, %jit3A_447, %jit3A_444 : i32
      %rem3A_449 = arith.remsi %scan3A_320, %select_n3A_448 : i32
      %ne3A_450 = arith.constant 0 : i32
      %ne3A_451 = arith.cmpi ne, %rem3A_449, %ne3A_450 : i32
      %lt3A_452 = arith.constant 0 : i32
      %lt3A_453 = arith.cmpi slt, %rem3A_449, %lt3A_452 : i32
      %lt3A_454 = arith.constant 0 : i32
      %lt3A_455 = arith.cmpi slt, %select_n3A_448, %lt3A_454 : i32
      %ne3A_456 = arith.xori %lt3A_453, %lt3A_455 : i1
      %and3A_457 = arith.andi %ne3A_456, %ne3A_451 : i1
      %add3A_458 = arith.addi %rem3A_449, %select_n3A_448 : i32
      %select_n3A_459 = arith.select %and3A_457, %add3A_458, %rem3A_449 : i32
      %eq3A_460 = vector.broadcast %select_n3A_459 : i32 to vector<16xi32>
      %eq3A_461 = arith.cmpi eq, %iota3A, %eq3A_460 : vector<16xi32>
      %reduce_sum3A = arith.constant true
      %reduce_sum3A_462 = vector.broadcast %reduce_sum3A : i1 to vector<16xi1>
      %reduce_sum3A_463 = tpu.scan <sum>, %cond3A_443 masked %reduce_sum3A_462 : vector<16xf32>, vector<16xi1> -> vector<16xf32>
      %reduce_sum3A_464 = vector.extract %reduce_sum3A_463[15] : f32 from vector<16xf32>
      %broadcast_in_dim3A_465 = vector.broadcast %reduce_sum3A_464 : f32 to vector<16xf32>
      %select_n3A_466 = arith.select %eq3A_461, %broadcast_in_dim3A_465, %scan3A_324 : vector<16xi1>, vector<16xf32>
      %jit3A_467 = arith.constant 16 : i32
      %eq3A_468 = arith.constant 0 : i32
      %eq3A_469 = arith.cmpi eq, %jit3A_467, %eq3A_468 : i32
      %jit3A_470 = arith.constant 1 : i32
      %select_n3A_471 = arith.select %eq3A_469, %jit3A_470, %jit3A_467 : i32
      %rem3A_472 = arith.remsi %scan3A_320, %select_n3A_471 : i32
      %ne3A_473 = arith.constant 0 : i32
      %ne3A_474 = arith.cmpi ne, %rem3A_472, %ne3A_473 : i32
      %lt3A_475 = arith.constant 0 : i32
      %lt3A_476 = arith.cmpi slt, %rem3A_472, %lt3A_475 : i32
      %lt3A_477 = arith.constant 0 : i32
      %lt3A_478 = arith.cmpi slt, %select_n3A_471, %lt3A_477 : i32
      %ne3A_479 = arith.xori %lt3A_476, %lt3A_478 : i1
      %and3A_480 = arith.andi %ne3A_479, %ne3A_474 : i1
      %add3A_481 = arith.addi %rem3A_472, %select_n3A_471 : i32
      %select_n3A_482 = arith.select %and3A_480, %add3A_481, %rem3A_472 : i32
      %eq3A_483 = arith.constant 15 : i32
      %eq3A_484 = arith.cmpi eq, %select_n3A_482, %eq3A_483 : i32
      %convert_element_type3A_485 = arith.extui %eq3A_484 : i1 to i32
      %cond3A_486 = arith.constant 0 : i32
      %cond3A_487 = arith.cmpi ne, %convert_element_type3A_485, %cond3A_486 : i32
      scf.if %cond3A_487 {
        %sub3A_488 = arith.constant 15 : i32
        %sub3A_489 = arith.subi %scan3A_320, %sub3A_488 : i32
        %get3A_490 = arith.index_cast %sub3A_489 : i32 to index
        %get3A_491 = tpu.vector_load %arg17[%get3A_490] {strides = array<i32>} : memref<512xf32, #tpu.memory_space<vmem>>, vector<16xf32>,
        %add3A_492 = arith.addf %select_n3A_466, %get3A_491 : vector<16xf32>
        %swap3A = arith.index_cast %sub3A_489 : i32 to index
        %swap3A_493 = tpu.vector_load %arg18[%swap3A] {strides = array<i32>} : memref<512xf32, #tpu.memory_space<vmem>>, vector<16xf32>,
        tpu.vector_store %arg18[%swap3A], %add3A_492 {strides = array<i32>} : memref<512xf32, #tpu.memory_space<vmem>>, vector<16xf32>,
      } else {
      }
      scf.yield %while3A_390#0, %while3A_390#1, %add3A_389, %select_n3A_466 : i32, i32, i32, vector<16xf32>
    }
    %scan3A_255 = arith.constant 512 : i32
    %dma_start3A_256 = arith.constant 0 : i32
    %dma_start3A_257 = arith.constant 0 : i32
    %dma_start3A_258 = tpu.memref_slice %arg18[%dma_start3A_257] : memref<512xf32, #tpu.memory_space<vmem>> -> memref<128xf32, #tpu.memory_space<vmem>>
    %dma_start3A_259 = arith.constant 0 : i32
    %dma_start3A_260 = tpu.memref_slice %arg13[%dma_start3A_256, %dma_start3A_259] : memref<4x128xi32, #tpu.memory_space<vmem>> -> memref<1x128xi32, #tpu.memory_space<vmem>>
    %dma_start3A_261 = tpu.memref_squeeze %dma_start3A_260 : memref<1x128xi32, #tpu.memory_space<vmem>> -> memref<128xi32, #tpu.memory_space<vmem>>
    %dma_start3A_262 = arith.constant 0 : i32
    %dma_start3A_263 = tpu.memref_slice %arg9[%dma_start3A_262] : memref<16384xf32, #tpu.memory_space<hbm>> -> memref<16384xf32, #tpu.memory_space<hbm>>
    tpu.enqueue_indirect_dma source(%dma_start3A_258 : memref<128xf32, #tpu.memory_space<vmem>>) target(%dma_start3A_263 : memref<16384xf32, #tpu.memory_space<hbm>>) offsets(%dma_start3A_261 : memref<128xi32, #tpu.memory_space<vmem>>) semaphore(%arg23 : memref<!tpu.dma_semaphore, #tpu.memory_space<semaphore_mem>>)
    %dma_start3A_264 = arith.constant 1 : i32
    %dma_start3A_265 = arith.constant 128 : i32
    %dma_start3A_266 = tpu.memref_slice %arg18[%dma_start3A_265] : memref<512xf32, #tpu.memory_space<vmem>> -> memref<128xf32, #tpu.memory_space<vmem>>
    %dma_start3A_267 = arith.constant 0 : i32
    %dma_start3A_268 = tpu.memref_slice %arg13[%dma_start3A_264, %dma_start3A_267] : memref<4x128xi32, #tpu.memory_space<vmem>> -> memref<1x128xi32, #tpu.memory_space<vmem>>
    %dma_start3A_269 = tpu.memref_squeeze %dma_start3A_268 : memref<1x128xi32, #tpu.memory_space<vmem>> -> memref<128xi32, #tpu.memory_space<vmem>>
    %dma_start3A_270 = arith.constant 0 : i32
    %dma_start3A_271 = tpu.memref_slice %arg9[%dma_start3A_270] : memref<16384xf32, #tpu.memory_space<hbm>> -> memref<16384xf32, #tpu.memory_space<hbm>>
    tpu.enqueue_indirect_dma source(%dma_start3A_266 : memref<128xf32, #tpu.memory_space<vmem>>) target(%dma_start3A_271 : memref<16384xf32, #tpu.memory_space<hbm>>) offsets(%dma_start3A_269 : memref<128xi32, #tpu.memory_space<vmem>>) semaphore(%arg23 : memref<!tpu.dma_semaphore, #tpu.memory_space<semaphore_mem>>)
    %dma_start3A_272 = arith.constant 2 : i32
    %dma_start3A_273 = arith.constant 256 : i32
    %dma_start3A_274 = tpu.memref_slice %arg18[%dma_start3A_273] : memref<512xf32, #tpu.memory_space<vmem>> -> memref<128xf32, #tpu.memory_space<vmem>>
    %dma_start3A_275 = arith.constant 0 : i32
    %dma_start3A_276 = tpu.memref_slice %arg13[%dma_start3A_272, %dma_start3A_275] : memref<4x128xi32, #tpu.memory_space<vmem>> -> memref<1x128xi32, #tpu.memory_space<vmem>>
    %dma_start3A_277 = tpu.memref_squeeze %dma_start3A_276 : memref<1x128xi32, #tpu.memory_space<vmem>> -> memref<128xi32, #tpu.memory_space<vmem>>
    %dma_start3A_278 = arith.constant 0 : i32
    %dma_start3A_279 = tpu.memref_slice %arg9[%dma_start3A_278] : memref<16384xf32, #tpu.memory_space<hbm>> -> memref<16384xf32, #tpu.memory_space<hbm>>
    tpu.enqueue_indirect_dma source(%dma_start3A_274 : memref<128xf32, #tpu.memory_space<vmem>>) target(%dma_start3A_279 : memref<16384xf32, #tpu.memory_space<hbm>>) offsets(%dma_start3A_277 : memref<128xi32, #tpu.memory_space<vmem>>) semaphore(%arg23 : memref<!tpu.dma_semaphore, #tpu.memory_space<semaphore_mem>>)
    %dma_start3A_280 = arith.constant 3 : i32
    %dma_start3A_281 = arith.constant 384 : i32
    %dma_start3A_282 = tpu.memref_slice %arg18[%dma_start3A_281] : memref<512xf32, #tpu.memory_space<vmem>> -> memref<128xf32, #tpu.memory_space<vmem>>
    %dma_start3A_283 = arith.constant 0 : i32
    %dma_start3A_284 = tpu.memref_slice %arg13[%dma_start3A_280, %dma_start3A_283] : memref<4x128xi32, #tpu.memory_space<vmem>> -> memref<1x128xi32, #tpu.memory_space<vmem>>
    %dma_start3A_285 = tpu.memref_squeeze %dma_start3A_284 : memref<1x128xi32, #tpu.memory_space<vmem>> -> memref<128xi32, #tpu.memory_space<vmem>>
    %dma_start3A_286 = arith.constant 0 : i32
    %dma_start3A_287 = tpu.memref_slice %arg9[%dma_start3A_286] : memref<16384xf32, #tpu.memory_space<hbm>> -> memref<16384xf32, #tpu.memory_space<hbm>>
    tpu.enqueue_indirect_dma source(%dma_start3A_282 : memref<128xf32, #tpu.memory_space<vmem>>) target(%dma_start3A_287 : memref<16384xf32, #tpu.memory_space<hbm>>) offsets(%dma_start3A_285 : memref<128xi32, #tpu.memory_space<vmem>>) semaphore(%arg23 : memref<!tpu.dma_semaphore, #tpu.memory_space<semaphore_mem>>)
    %dma_wait3A_288 = arith.constant 0 : i32
    %dma_wait3A_289 = arith.constant 0 : i32
    %dma_wait3A_290 = tpu.memref_slice %arg18[%dma_wait3A_289] : memref<512xf32, #tpu.memory_space<vmem>> -> memref<128xf32, #tpu.memory_space<vmem>>
    %dma_wait3A_291 = arith.constant 0 : i32
    %dma_wait3A_292 = tpu.memref_slice %arg13[%dma_wait3A_288, %dma_wait3A_291] : memref<4x128xi32, #tpu.memory_space<vmem>> -> memref<1x128xi32, #tpu.memory_space<vmem>>
    %dma_wait3A_293 = tpu.memref_squeeze %dma_wait3A_292 : memref<1x128xi32, #tpu.memory_space<vmem>> -> memref<128xi32, #tpu.memory_space<vmem>>
    %dma_wait3A_294 = arith.constant 0 : i32
    %dma_wait3A_295 = tpu.memref_slice %arg9[%dma_wait3A_294] : memref<16384xf32, #tpu.memory_space<hbm>> -> memref<16384xf32, #tpu.memory_space<hbm>>
    tpu.wait_indirect_dma semaphore(%arg23 : memref<!tpu.dma_semaphore, #tpu.memory_space<semaphore_mem>>) src(%dma_wait3A_290 : memref<128xf32, #tpu.memory_space<vmem>>) dst(%dma_wait3A_295 : memref<16384xf32, #tpu.memory_space<hbm>>)
    %dma_wait3A_296 = arith.constant 1 : i32
    %dma_wait3A_297 = arith.constant 128 : i32
    %dma_wait3A_298 = tpu.memref_slice %arg18[%dma_wait3A_297] : memref<512xf32, #tpu.memory_space<vmem>> -> memref<128xf32, #tpu.memory_space<vmem>>
    %dma_wait3A_299 = arith.constant 0 : i32
    %dma_wait3A_300 = tpu.memref_slice %arg13[%dma_wait3A_296, %dma_wait3A_299] : memref<4x128xi32, #tpu.memory_space<vmem>> -> memref<1x128xi32, #tpu.memory_space<vmem>>
    %dma_wait3A_301 = tpu.memref_squeeze %dma_wait3A_300 : memref<1x128xi32, #tpu.memory_space<vmem>> -> memref<128xi32, #tpu.memory_space<vmem>>
    %dma_wait3A_302 = arith.constant 0 : i32
    %dma_wait3A_303 = tpu.memref_slice %arg9[%dma_wait3A_302] : memref<16384xf32, #tpu.memory_space<hbm>> -> memref<16384xf32, #tpu.memory_space<hbm>>
    tpu.wait_indirect_dma semaphore(%arg23 : memref<!tpu.dma_semaphore, #tpu.memory_space<semaphore_mem>>) src(%dma_wait3A_298 : memref<128xf32, #tpu.memory_space<vmem>>) dst(%dma_wait3A_303 : memref<16384xf32, #tpu.memory_space<hbm>>)
    %dma_wait3A_304 = arith.constant 2 : i32
    %dma_wait3A_305 = arith.constant 256 : i32
    %dma_wait3A_306 = tpu.memref_slice %arg18[%dma_wait3A_305] : memref<512xf32, #tpu.memory_space<vmem>> -> memref<128xf32, #tpu.memory_space<vmem>>
    %dma_wait3A_307 = arith.constant 0 : i32
    %dma_wait3A_308 = tpu.memref_slice %arg13[%dma_wait3A_304, %dma_wait3A_307] : memref<4x128xi32, #tpu.memory_space<vmem>> -> memref<1x128xi32, #tpu.memory_space<vmem>>
    %dma_wait3A_309 = tpu.memref_squeeze %dma_wait3A_308 : memref<1x128xi32, #tpu.memory_space<vmem>> -> memref<128xi32, #tpu.memory_space<vmem>>
    %dma_wait3A_310 = arith.constant 0 : i32
    %dma_wait3A_311 = tpu.memref_slice %arg9[%dma_wait3A_310] : memref<16384xf32, #tpu.memory_space<hbm>> -> memref<16384xf32, #tpu.memory_space<hbm>>
    tpu.wait_indirect_dma semaphore(%arg23 : memref<!tpu.dma_semaphore, #tpu.memory_space<semaphore_mem>>) src(%dma_wait3A_306 : memref<128xf32, #tpu.memory_space<vmem>>) dst(%dma_wait3A_311 : memref<16384xf32, #tpu.memory_space<hbm>>)
    %dma_wait3A_312 = arith.constant 3 : i32
    %dma_wait3A_313 = arith.constant 384 : i32
    %dma_wait3A_314 = tpu.memref_slice %arg18[%dma_wait3A_313] : memref<512xf32, #tpu.memory_space<vmem>> -> memref<128xf32, #tpu.memory_space<vmem>>
    %dma_wait3A_315 = arith.constant 0 : i32
    %dma_wait3A_316 = tpu.memref_slice %arg13[%dma_wait3A_312, %dma_wait3A_315] : memref<4x128xi32, #tpu.memory_space<vmem>> -> memref<1x128xi32, #tpu.memory_space<vmem>>
    %dma_wait3A_317 = tpu.memref_squeeze %dma_wait3A_316 : memref<1x128xi32, #tpu.memory_space<vmem>> -> memref<128xi32, #tpu.memory_space<vmem>>
    %dma_wait3A_318 = arith.constant 0 : i32
    %dma_wait3A_319 = tpu.memref_slice %arg9[%dma_wait3A_318] : memref<16384xf32, #tpu.memory_space<hbm>> -> memref<16384xf32, #tpu.memory_space<hbm>>
    tpu.wait_indirect_dma semaphore(%arg23 : memref<!tpu.dma_semaphore, #tpu.memory_space<semaphore_mem>>) src(%dma_wait3A_314 : memref<128xf32, #tpu.memory_space<vmem>>) dst(%dma_wait3A_319 : memref<16384xf32, #tpu.memory_space<hbm>>)
    return
  }
}

</mosaic_0001>

<sc_bundles>
// kernel: gather_offload_async_start.1
scs
__scs_entry_jumppad:
0x0: {  	(pc) =	sbr.rel $0x88, $3  }
0x1: {  	(tag) =	ssettag $0x0;
	lr =	simm.s32 $0x1  }
0x2: {  	[smem:$0x3F9C] =	sst lr;
	_ =	strace $0xD0000000  }
0x3: {  	_ = 	snop  }
0x4: {  	_ = 	snop  }
0x5: {  	_ = 	snop  }
0x6: {  	_ = 	snop  }
0x7: {  	_ = 	snop  }
__scs_overlays_trampoline_lowered:
0x8: {  	[smem:$0x3FAB] =	sst s0  }
0x9: {  	[smem:$0x3FAC] =	sst s1  }
0xa: {  	[smem:$0x3FAD] =	sst s2  }
0xb: {  	[smem:$0x3FAE] =	sst s3  }
0xc: {  	[smem:$0x3FAF] =	sst s4  }
0xd: {  	[smem:$0x3FB0] =	sst s5  }
0xe: {  	[smem:$0x3FB1] =	sst s6  }
0xf: {  	[smem:$0x3FB2] =	sst s7  }
0x10: {  	[smem:$0x3FB3] =	sst s8  }
0x11: {  	[smem:$0x3FB4] =	sst s9;
	s0 =	simm.s32 @!p0 $0x0  }
0x12: {  	s1 =	sld [smem:$0x3F9A];
	s0 =	simm.s32 @p0 $0x1  }
0x13: {  	[smem:$0x3FB5] =	sst s0;
	s0 =	simm.s32 @!p1 $0x0  }
0x14: {  	s2 =	sld [smem:$0x3F99];
	s0 =	simm.s32 @p1 $0x1  }
0x15: {  	[smem:$0x3FB6] =	sst s0;
	s0 =	simm.s32 @!p2 $0x0  }
0x16: {  	s3 =	sld [smem:$0x3FDB];
	s0 =	simm.s32 @p2 $0x1  }
0x17: {  	s4 =	simm.s32 $0x1BF5;
	[smem:$0x3FB8] =	sst s0  }
0x18: {  	s0 =	sld [smem:$0x3F9B];
	_ =	swait.ge [sflag:s4], $0x0  }
0x19: {  	s7 =	sld [smem:$0x3F9C]  }
0x1a: {  	s8 =	sadd.s32 $0xFFFFE003, lr  }
0x1b: {  	s9 =	sadd.s32 $0xFFFFFEF7, lr;
	s5 =	simm.s32 $0xFFFFFFFF;
	p2 =	slt.u32 s8, $0xFFFFF086  }
0x1c: {  	p1 =	slt.u32 s9, $0xF7A;
	s5 =	simm.s32 @!p2 $0x0  }
0x1d: {  	s5 =	simm.s32 @p1 $0x1;
	p0 =	seq.s32 s7, s2  }
0x1e: {  	s7 =	smul.u32 @!p0 $0xF7A, s2;
	p2 =	seq.s32 @!p0 s5, $0x0  }
0x1f: {  	s9 =	smul.u32 $0xF7A, s1;
	s8 =	simm.s32 @!p0 $0x1BF5;
	p2 =	por !p2, p0  }
0x20: {  	[sflag:s8] =	ssyncset.s32 @!p0 $0xFFFFF086;
	s6 =	sadd.s32 @!p0 s3, s7;
	s7 =	simm.s32 @!p0 $0x108  }
0x21: {  	s3 =	sadd.s32 s3, s9;
	s6 =	sadd.s32 @!p0 $0x88, s6;
	s7 =	simm.s32 @p2 $0x1082  }
0x22: {  	[simem:s7], [sflag:s8] =	dma.local @!p0 [hbm:s6], $0xF7A  }
0x23: {  	s9 =	sor.u32 $0xD0000000, s2;
	s6 =	simm.s32 $0x108;
	_ =	swait.ge @!p0 [sflag:s8], $0x0  }
0x24: {  	s3 =	sadd.s32 $0x88, s3;
	s6 =	simm.s32 @!p1 $0x1082;
	[sflag:s4] =	ssyncset.s32 $0xFFFFF086  }
0x25: {  	[simem:s6], [sflag:s4] =	dma.local [hbm:s3], $0xF7A  }
0x26: {  	[smem:$0x3F9C] =	sst s1;
	(tag) =	ssettag s2;
	_ =	strace s9  }
0x27: {  	s1 =	sld [smem:$0x3FAC]  }
0x28: {  	s2 =	sld [smem:$0x3FAD]  }
0x29: {  	s4 =	sld [smem:$0x3FAF]  }
0x2a: {  	p0 =	seq.s32 s5, $0x0;
	s5 =	sld [smem:$0x3FB0]  }
0x2b: {  	s6 =	sld [smem:$0x3FB1]  }
0x2c: {  	s7 =	sld [smem:$0x3FB2]  }
0x2d: {  	s3 =	simm.s32 $0x108;
	s8 =	sld [smem:$0x3FB3]  }
0x2e: {  	s3 =	simm.s32 @!p0 $0x1082;
	s9 =	sld [smem:$0x3FB4]  }
0x2f: {  	lr =	sadd.s32 s0, s3;
	s0 =	sld [smem:$0x3FAB]  }
0x30: {  	s3 =	sld [smem:$0x3FAE]  }
0x31: {  	[smem:$0x3FB7] =	sst s10  }
0x32: {  	s10 =	sld [smem:$0x3FB5];
	_ =	sdelay $0x3  }
0x33: {  	p0 =	seq.s32 s10, $0x1;
	s10 =	sld [smem:$0x3FB7];
	_ =	sdelay $0x3  }
0x34: {  	[smem:$0x3FB7] =	sst s10  }
0x35: {  	s10 =	sld [smem:$0x3FB6];
	_ =	sdelay $0x3  }
0x36: {  	p1 =	seq.s32 s10, $0x1;
	s10 =	sld [smem:$0x3FB7];
	_ =	sdelay $0x3  }
0x37: {  	[smem:$0x3FB7] =	sst s10  }
0x38: {  	s10 =	sld [smem:$0x3FB8]  }
0x39: {  	_ = 	snop;
	(pc) =	sbr.ind lr, $3  }
0x3a: {  	_ = 	snop  }
0x3b: {  	_ = 	snop  }
0x3c: {  	p2 =	seq.s32 s10, $0x1;
	s10 =	sld [smem:$0x3FB7]  }
0x3d: {  	_ =	shalt  }
0x3e: {  	_ =	shalt  }
0x3f: {  	_ =	shalt  }
0x40: {  	_ =	shalt  }
0x41: {  	_ =	shalt  }
0x42: {  	_ =	shalt  }
0x43: {  	_ =	shalt  }
0x44: {  	_ =	shalt  }
0x45: {  	_ =	shalt  }
0x46: {  	_ =	shalt  }
0x47: {  	_ =	shalt  }
0x48: {  	_ =	shalt  }
0x49: {  	_ =	shalt  }
0x4a: {  	_ =	shalt  }
0x4b: {  	_ =	shalt  }
0x4c: {  	_ =	shalt  }
0x4d: {  	_ =	shalt  }
0x4e: {  	_ =	shalt  }
0x4f: {  	_ =	shalt  }
0x50: {  	_ =	shalt  }
0x51: {  	_ =	shalt  }
0x52: {  	_ =	shalt  }
0x53: {  	_ =	shalt  }
0x54: {  	_ =	shalt  }
0x55: {  	_ =	shalt  }
0x56: {  	_ =	shalt  }
0x57: {  	_ =	shalt  }
0x58: {  	_ =	shalt  }
0x59: {  	_ =	shalt  }
0x5a: {  	_ =	shalt  }
0x5b: {  	_ =	shalt  }
0x5c: {  	_ =	shalt  }
0x5d: {  	_ =	shalt  }
0x5e: {  	_ =	shalt  }
0x5f: {  	_ =	shalt  }
0x60: {  	_ =	shalt  }
0x61: {  	_ =	shalt  }
0x62: {  	_ =	shalt  }
0x63: {  	_ =	shalt  }
0x64: {  	_ =	shalt  }
0x65: {  	_ =	shalt  }
0x66: {  	_ =	shalt  }
0x67: {  	_ =	shalt  }
0x68: {  	_ =	shalt  }
0x69: {  	_ =	shalt  }
0x6a: {  	_ =	shalt  }
0x6b: {  	_ =	shalt  }
0x6c: {  	_ =	shalt  }
0x6d: {  	_ =	shalt  }
0x6e: {  	_ =	shalt  }
0x6f: {  	_ =	shalt  }
0x70: {  	_ =	shalt  }
0x71: {  	_ =	shalt  }
0x72: {  	_ =	shalt  }
0x73: {  	_ =	shalt  }
0x74: {  	_ =	shalt  }
0x75: {  	_ =	shalt  }
0x76: {  	_ =	shalt  }
0x77: {  	_ =	shalt  }
0x78: {  	_ =	shalt  }
0x79: {  	_ =	shalt  }
0x7a: {  	_ =	shalt  }
0x7b: {  	_ =	shalt  }
0x7c: {  	_ =	shalt  }
0x7d: {  	_ =	shalt  }
0x7e: {  	_ =	shalt  }
0x7f: {  	_ =	shalt  }
0x80: {  	_ =	shalt  }
0x81: {  	_ =	shalt  }
0x82: {  	_ =	shalt  }
0x83: {  	_ =	shalt  }
0x84: {  	_ =	shalt  }
0x85: {  	_ =	shalt  }
0x86: {  	_ =	shalt  }
0x87: {  	_ =	shalt  }
.Lfunc_end0:
.L_simem_size_0:
called_computation.1_lowered:
.L_overlay_start_0:
0x88: {  	s2 =	sld [smem:$0x3FD9]  }
0x89: {  	s3 =	sld [smem:$0x3FFE];
	_ =	sdelay $0x1  }
0x8a: {  	s1 =	srdreg.scid  }
0x8b: {  	s0 =	sand.u32 $0x1, s1  }
0x8c: {  	s17 =	sshll.u32 s0, $0xA;
	s2 =	sadd.s32 s3, s2  }
0x8d: {  	s2 =	sadd.s32 s2, s17  }
0x8e: {  	[smem:$0x3FC3] =	sst s2  }
0x8f: {  	_ = 	snop  }
0x90: {  	s2 =	sld [smem:$0x3FD0];
	(tm) =	ssettm $0x1  }
0x91: {  	s18 =	sld [smem:$0x3FFB];
	_ =	sdelay $0x3  }
0x92: {  	_ =	strace s18  }
0x93: {  	s3 =	sld [smem:$0x3FFC];
	_ =	sdelay $0x3  }
0x94: {  	_ =	strace s3  }
0x95: {  	s3 =	sld [smem:$0x3FFD];
	_ =	sdelay $0x3  }
0x96: {  	_ =	strace s3  }
0x97: {  	_ =	strace $0x8FFFFFFF  }
0x98: {  	s19 =	sld [smem:$0x3FDB];
	_ =	sdelay $0x1  }
0x99: {  	s4 =	simm.s32 $_scs_section_size  }
0x9a: {  	s5 =	simm.s32 $_size__tile_overlayer_lowered;
	s6 =	simm.s32 $_tile_overlayer_lowered  }
0x9b: {  	s22 =	simm.s32 $0x1BFF;
	s21 =	sshll.u32 s6, $0x1;
	s3 =	sadd.s32 s4, s19  }
0x9c: {  	s7 =	simm.s32 $0x0;
	s20 =	sshll.u32 s5, $0x1;
	s5 =	sadd.s32 s21, s3  }
0x9d: {  	[timem:s7], [sflag:s22] =	dma.local [hbm:s5], s20  }
0x9e: {  	_ =	swait.ge [sflag:s22], s20  }
0x9f: {  	s4 =	ssub.s32 $0x0, s20;
	[sflag:s22] =	ssyncset.done $0x0  }
0xa0: {  	[sflag:s22] =	ssyncadd.s32 s4;
	_ =	sdelay $0x1  }
0xa1: {  	s23 =	simm.s32 $0x1B8B  }
0xa2: {  	_ =	swait.ge [sflag:s23], $0x1  }
0xa3: {  	[sflag:s23] =	ssyncset.done $0x0  }
0xa4: {  	s25 =	simm.s32 $0x1B8E;
	s24 =	sld [smem:$0x3FFE];
	[sflag:s23] =	ssyncadd.s32 $0xFFFFFFFF  }
0xa5: {  	s26 =	simm.s32 $execute0_lowered;
	[smem:$0x3FD2] =	sst s25  }
0xa6: {  	s5 =	sshll.u32 s26, $0x1;
	_ =	strace $0x80000046;
	[dreg:$0x1] =	wrdreg $0xFFFFFFFF  }
0xa7: {  	s28 =	simm.s32 $_size_execute0_lowered;
	s3 =	sadd.s32 s3, s5;
	[dreg:$0x0] =	wrdreg $0x0  }
0xa8: {  	s5 =	sshll.u32 s28, $0x1;
	[dreg:$0x2] =	wrdreg s3  }
0xa9: {  	[dreg:$0x3] =	wrdreg s5  }
0xaa: {  	[dreg:$0x4] =	wrdreg $0xC0  }
0xab: {  	_ =	task [dreg:s7], $0x5FFFF  }
0xac: {  	[dreg:$0x1] =	wrdreg $0xFFFFFFFF  }
0xad: {  	[dreg:$0x0] =	wrdreg $0x60  }
0xae: {  	[dreg:$0x2] =	wrdreg s24  }
0xaf: {  	[dreg:$0x3] =	wrdreg s2  }
0xb0: {  	[dreg:$0x4] =	wrdreg $0xA  }
0xb1: {  	_ =	task.clear_ibuf [dreg:s7], $0x5FFFF;
	_ =	strace $0x90000046  }
0xb2: {  	s29 =	simm.s32 $0xA;
	_ =	strace $0x80000048  }
0xb3: {  	_ =	swait.ge [sflag:s29], $0x1  }
0xb4: {  	[sflag:s29] =	ssyncadd.s32 $0xFFFFFFFF  }
0xb5: {  	_ =	strace $0x90000048  }
0xb6: {  	_ =	sfence  }
0xb7: {  	s30 =	sld [smem:$0x0];
	_ =	sdelay $0x2  }
0xb8: {  	s31 =	sshll.u32 s1, $0xD;
	s1 =	sshrl.u32 s1, $0x2  }
0xb9: {  	s3 =	sand.u32 $0x4000, s31;
	s1 =	sadd.s32 s1, s30  }
0xba: {  	s0 =	sor.u32 s3, s0;
	s1 =	sshll.u32 s1, $0x11  }
0xbb: {  	s0 =	sor.u32 s1, s0  }
0xbc: {  	s0 =	sadd.s32 $0x8F2B, s0  }
0xbd: {  	[sflag:s0] =	ssyncadd.remote.s32 $0x1  }
0xbe: {  	_ =	sfence.sel $0xFFFF  }
0xbf: {  	[dreg:$0x0] =	wrdreg $0xFFFFFFFF;
	(pc) =	sbr.abs _section_cstart, $3  }
0xc0: {  	[dreg:$0x1] =	wrdreg $0xFFFFFFFF  }
0xc1: {  	_ =	task.clear_ibuf [dreg:s7], $0x2FFFF;
	_ =	strace $0x9FFFFFFF  }
0xc2: {  	(tm) =	ssettm $0x7FFFFFFF  }
0xc3: {  	_ =	shalt  }
tec
execute0_lowered:
.L_overlay_start_1:
0x0: {  	(tag) =	ssettag $0x1  }
0x1: {  	s7 =	rddreg [dreg:$0x0]  }
0x2: {  	s2 =	rddreg [dreg:$0x1]  }
0x3: {  	s0 =	rddreg [dreg:$0x2]  }
0x4: {  	s1 =	srdreg.scid;
	_ =	strace $0x80000047;
	s4 =	simm.s32 $0x1  }
0x5: {  	s9 =	simm.s32 $0x3;
	s11 =	simm.s32 $0x0;
	s5 =	sshll.u32 s1, $0x4  }
.Ltmp0:
0x6: {  	s1 =	stileid.u32;
	s5 =	sand.u32 $0x10, s5;
	(pc) =	sbr.rel .LBB2_1-.Ltmp0, $4  }
0x7: {  	p0 =	por $0x0, $0x0;
	s3 =	sadd.s32 $0x1000, s7;
	s6 =	sor.u32 s1, s5  }
0x8: {  	[sflag:s4] =	ssyncpa.u1 $0x0;
	s5 =	simm.s32 $0x2;
	s6 =	sshll.u32 s6, $0x9  }
0x9: {  	s7 =	sadd.s32 $0x41000, s7;
	[sflag:s5] =	ssyncpa.u1 $0x0;
	s8 =	sadd.s32 $0x200, s6  }
0xa: {  	vm0 =	vmmov $0xff;
	vm1 =	vcmask $0x3F20;
	[sflag:s9] =	ssyncpa.u1 $0x0;
	s10 =	smov.u32 s6;
	s9 =	simm.s32 $0x0  }
.LBB2_7:
0xb: {  	p1 =	slt.u32 s9, $0x2;
	s11 =	sadd.s32 $0x100, s10  }
0xc: {  	s13 =	smov.u32 s6;
	s9 =	sadd.s32 $0x1, s9;
	p2 =	slt.s32 s11, s8  }
0xd: {  	s13 =	smov.u32 @p2 s11;
	p2 =	sne.s32 s9, $0x4  }
.Ltmp1:
0xe: {  	_ = 	snop;
	(pc) =	sbr.rel @!p2 .LBB2_8-.Ltmp1, $4  }
0xf: {  	s12 =	simm.s32 @!p1 $0x3  }
0x10: {  	_ =	swait.ge @!p1 [sflag:s12], $0x8000  }
0x11: {  	p0 =	por !p0, !p0;
	[sflag:s12] =	ssyncset.done @!p1 $0x0  }
0x12: {  	s11 =	smov.u32 s10;
	s10 =	smov.u32 s13;
	[sflag:s12] =	ssyncadd.s32 @!p1 $0xFFFF8000  }
.LBB2_1:
0x13: {  	p1 =	sgt.u32 s9, $0x1  }
0x14: {  	s12 =	sshll.u32 @!p1 s9, $0x8;
	s13 =	sshrl.u32 @!p1 s10, $0x3  }
0x15: {  	s14 =	sand.u32 @!p1 $0x7, s10;
	s12 =	sxor.u32 @!p1 $0x100, s12;
	s13 =	sadd.s32 @!p1 s2, s13  }
0x16: {  	[tilespmem:s12], [sflag:$0x2] =	stream.linear.gather @!p1 [hbm4b:s13+s14], $0x100, $0x38;
	[tilespmem:$0x10200] =	vst v63  }
0x17: {  	p1 =	seq.s32 s9, $0x0  }
0x18: {  	p2 =	seq.s32 @!p1 s9, $0x3  }
0x19: {  	p1 =	por p1, p2  }
.Ltmp2:
0x1a: {  	_ = 	snop;
	(pc) =	sbr.rel @p1 .LBB2_7-.Ltmp2, $1  }
0x1b: {  	_ =	sdelay $0x3  }
0x1c: {  	s12 =	simm.s32 $0x1  }
0x1d: {  	_ =	swait.ge [sflag:s5], $0x100;
	s12 =	simm.s32 @!p0 $0x0  }
0x1e: {  	[sflag:s5] =	ssyncset.done $0x0;
	s14 =	sshll.u32 s12, $0x8  }
0x1f: {  	[sflag:s5] =	ssyncadd.s32 $0xFFFFFF00;
	s13 =	sadd.s32 $0x0, s14  }
0x20: {  	v0 =	vld.msk [tilespmem:s13+$0x0 ss:$0x1], $0xffff;
	_ =	sdelay $0x4  }
0x21: {  	vm2 =	vgt.s32 v0, $0x0  }
0x22: {  	v0 =	vnsel vm2, $0x0, v0  }
0x23: {  	v0 =	vmin.u32 v0, $0x3FFF  }
0x24: {  	v0 =	vshll.u32 v0, $0x4;
	_ =	sdelay $0x2  }
0x25: {  	s12 =	sshll.u32 s12, $0xF  }
0x26: {  	s12 =	sor.u32 $0x200, s12  }
0x27: {  	[tilespmem:s12], [sflag:$0x1] =	stream.indirect_vreg.gather [hbm:s3], $0x80, v0, vm0, $0x38;
	[tilespmem:$0x10200] =	vst v63  }
0x28: {  	s15 =	sadd.s32 $0x10, s14;
	s13 =	sadd.s32 $0x400, s12  }
0x29: {  	[tilespmem:s13], [sflag:$0x1] =	stream.indirect_vreg.gather [hbm:s3], $0x80, v0, vm1, $0x38;
	[tilespmem:$0x10200] =	vst v63  }
0x2a: {  	s16 =	simm.s32 $0x80;
	v0 =	vld.msk [tilespmem:s15+$0x0 ss:$0x1], $0xffff;
	s15 =	smov.u32 s12  }
.LBB2_3:
0x2b: {  	p1 =	sne.s32 s16, $0x3C0;
	_ =	sdelay $0x4  }
0x2c: {  	vm2 =	vgt.s32 v0, $0x0  }
0x2d: {  	v0 =	vnsel vm2, $0x0, v0  }
0x2e: {  	v0 =	vmin.u32 v0, $0x3FFF  }
0x2f: {  	v0 =	vshll.u32 v0, $0x4;
	_ =	sdelay $0x3  }
.Ltmp3:
0x30: {  	s17 =	sshra.s32 s16, $0x2;
	s15 =	sadd.s32 $0x800, s15;
	(pc) =	sbr.rel @p1 .LBB2_3-.Ltmp3, $4  }
0x31: {  	[tilespmem:s15], [sflag:$0x1] =	stream.indirect_vreg.gather [hbm:s3], $0x80, v0, vm0, $0x38;
	[tilespmem:$0x10200] =	vst v63  }
0x32: {  	s17 =	sadd.s32 s17, s14;
	s18 =	sadd.s32 $0x400, s15  }
0x33: {  	[tilespmem:s18], [sflag:$0x1] =	stream.indirect_vreg.gather [hbm:s3], $0x80, v0, vm1, $0x38;
	[tilespmem:$0x10200] =	vst v63  }
0x34: {  	s16 =	sadd.s32 $0x40, s16;
	v0 =	vld.msk [tilespmem:s17+$0x0 ss:$0x1], $0xffff  }
0x35: {  	_ =	sdelay $0x3  }
0x36: {  	vm2 =	vgt.s32 v0, $0x0  }
0x37: {  	v0 =	vnsel vm2, $0x0, v0  }
0x38: {  	v0 =	vmin.u32 v0, $0x3FFF  }
0x39: {  	v0 =	vshll.u32 v0, $0x4;
	_ =	sdelay $0x3  }
0x3a: {  	s14 =	sadd.s32 $0x800, s15  }
0x3b: {  	[tilespmem:s14], [sflag:$0x1] =	stream.indirect_vreg.gather [hbm:s3], $0x80, v0, vm0, $0x38;
	[tilespmem:$0x10200] =	vst v63  }
0x3c: {  	s14 =	sadd.s32 $0x400, s14  }
0x3d: {  	[tilespmem:s14], [sflag:$0x1] =	stream.indirect_vreg.gather [hbm:s3], $0x80, v0, vm1, $0x38;
	[tilespmem:$0x10200] =	vst v63  }
0x3e: {  	s11 =	sshll.u32 s11, $0x4;
	_ =	swait.ge [sflag:s4], $0x8000  }
0x3f: {  	s11 =	sadd.s32 s11, s7;
	[sflag:s4] =	ssyncset.done $0x0  }
0x40: {  	s15 =	sadd.s32 $0x0, s11;
	s14 =	simm.s32 $0x80;
	[sflag:s4] =	ssyncadd.s32 $0xFFFF8000  }
.LBB2_5:
0x41: {  	[hbm:s15] =	stream.linear.scatter [tilespmem:s12], [sflag:$0x3], $0x400, $0x38;
	[tilespmem:$0x10200] =	vst v63  }
0x42: {  	s15 =	smov.u32 s14;
	s12 =	smov.u32 s13;
	p1 =	sne.s32 s14, $0xF80  }
.Ltmp4:
0x43: {  	s14 =	sadd.s32 $0x80, s14;
	(pc) =	sbr.rel @p1 .LBB2_5-.Ltmp4, $2  }
0x44: {  	_ =	sdelay $0x2  }
0x45: {  	s13 =	sadd.s32 $0x400, s13;
	s15 =	sadd.s32 s15, s11  }
.Ltmp5:
0x46: {  	(pc) =	sbr.rel .LBB2_7-.Ltmp5, $2  }
0x47: {  	_ =	sdelay $0x2  }
0x48: {  	[hbm:s15] =	stream.linear.scatter [tilespmem:s12], [sflag:$0x3], $0x400, $0x38;
	[tilespmem:$0x10200] =	vst v63  }
.LBB2_8:
0x49: {  	_ =	sfence.sel $0x180000  }
0x4a: {  	s2 =	simm.s32 $0x2;
	[bflag:$0x0] =	sbarrier.arrive $0xFFFF  }
0x4b: {  	s30 =	simm.s32 $0x3;
	[sflag:s2] =	ssyncpa.u1 $0x1  }
0x4c: {  	s31 =	simm.s32 $0x1;
	[sflag:s30] =	ssyncpa.u1 $0x1  }
0x4d: {  	[sflag:s31] =	ssyncpa.u1 $0x1  }
0x4e: {  	p0 =	sne.s32 s1, $0x0;
	_ =	strace $0x90000047  }
0x4f: {  	s0 =	sadd.s32 @!p0 $0x100000, s0;
	[bflag:$0x2] =	sbarrier.arrive $0xFFFF  }
0x50: {  	[sflag:s0] =	ssyncadd.tile.s32 @!p0 $0x1;
	_ =	shalt  }
.Lfunc_end2:
_tile_overlayer_lowered:
.L_overlay_start_2:
0x51: {  	(tag) =	ssettag $0x2  }
0x52: {  	s0 =	rddreg [dreg:$0x0];
	s2 =	stileid.u32  }
0x53: {  	s1 =	rddreg [dreg:$0x1];
	p0 =	sne.s32 s2, $0x0  }
0x54: {  	s3 =	rddreg [dreg:$0x2];
	[bflag:$0x3] =	sbarrier.arrive $0xFFFF;
	s2 =	simm.s32 @!p0 $0x1C01  }
0x55: {  	[timem:s3], [sflag:s2] =	dma.local @!p0 [hbm:s0], s1  }
0x56: {  	s0 =	simm.s32 @!p0 $0x1  }
0x57: {  	_ =	swait.ge @!p0 [sflag:s0], s1  }
0x58: {  	s1 =	ssub.s32 @!p0 $0x0, s1;
	[sflag:s0] =	ssyncset.done @!p0 $0x0  }
0x59: {  	[sflag:s0] =	ssyncadd.s32 @!p0 s1  }
0x5a: {  	[bflag:$0x3] =	sbarrier.arrive $0xFFFF  }
0x5b: {  	_ =	shalt  }

// kernel: gather_offload_async_start
scs
__scs_entry_jumppad:
0x0: {  	(pc) =	sbr.rel $0x88, $3  }
0x1: {  	(tag) =	ssettag $0x0;
	lr =	simm.s32 $0x1  }
0x2: {  	[smem:$0x3F9C] =	sst lr;
	_ =	strace $0xD0000000  }
0x3: {  	_ = 	snop  }
0x4: {  	_ = 	snop  }
0x5: {  	_ = 	snop  }
0x6: {  	_ = 	snop  }
0x7: {  	_ = 	snop  }
__scs_overlays_trampoline_lowered:
0x8: {  	[smem:$0x3FAB] =	sst s0  }
0x9: {  	[smem:$0x3FAC] =	sst s1  }
0xa: {  	[smem:$0x3FAD] =	sst s2  }
0xb: {  	[smem:$0x3FAE] =	sst s3  }
0xc: {  	[smem:$0x3FAF] =	sst s4  }
0xd: {  	[smem:$0x3FB0] =	sst s5  }
0xe: {  	[smem:$0x3FB1] =	sst s6  }
0xf: {  	[smem:$0x3FB2] =	sst s7  }
0x10: {  	[smem:$0x3FB3] =	sst s8  }
0x11: {  	[smem:$0x3FB4] =	sst s9;
	s0 =	simm.s32 @!p0 $0x0  }
0x12: {  	s1 =	sld [smem:$0x3F9A];
	s0 =	simm.s32 @p0 $0x1  }
0x13: {  	[smem:$0x3FB5] =	sst s0;
	s0 =	simm.s32 @!p1 $0x0  }
0x14: {  	s2 =	sld [smem:$0x3F99];
	s0 =	simm.s32 @p1 $0x1  }
0x15: {  	[smem:$0x3FB6] =	sst s0;
	s0 =	simm.s32 @!p2 $0x0  }
0x16: {  	s3 =	sld [smem:$0x3FDB];
	s0 =	simm.s32 @p2 $0x1  }
0x17: {  	s4 =	simm.s32 $0x1BF5;
	[smem:$0x3FB8] =	sst s0  }
0x18: {  	s0 =	sld [smem:$0x3F9B];
	_ =	swait.ge [sflag:s4], $0x0  }
0x19: {  	s7 =	sld [smem:$0x3F9C]  }
0x1a: {  	s8 =	sadd.s32 $0xFFFFE003, lr  }
0x1b: {  	s9 =	sadd.s32 $0xFFFFFEF7, lr;
	s5 =	simm.s32 $0xFFFFFFFF;
	p2 =	slt.u32 s8, $0xFFFFF086  }
0x1c: {  	p1 =	slt.u32 s9, $0xF7A;
	s5 =	simm.s32 @!p2 $0x0  }
0x1d: {  	s5 =	simm.s32 @p1 $0x1;
	p0 =	seq.s32 s7, s2  }
0x1e: {  	s7 =	smul.u32 @!p0 $0xF7A, s2;
	p2 =	seq.s32 @!p0 s5, $0x0  }
0x1f: {  	s9 =	smul.u32 $0xF7A, s1;
	s8 =	simm.s32 @!p0 $0x1BF5;
	p2 =	por !p2, p0  }
0x20: {  	[sflag:s8] =	ssyncset.s32 @!p0 $0xFFFFF086;
	s6 =	sadd.s32 @!p0 s3, s7;
	s7 =	simm.s32 @!p0 $0x108  }
0x21: {  	s3 =	sadd.s32 s3, s9;
	s6 =	sadd.s32 @!p0 $0x88, s6;
	s7 =	simm.s32 @p2 $0x1082  }
0x22: {  	[simem:s7], [sflag:s8] =	dma.local @!p0 [hbm:s6], $0xF7A  }
0x23: {  	s9 =	sor.u32 $0xD0000000, s2;
	s6 =	simm.s32 $0x108;
	_ =	swait.ge @!p0 [sflag:s8], $0x0  }
0x24: {  	s3 =	sadd.s32 $0x88, s3;
	s6 =	simm.s32 @!p1 $0x1082;
	[sflag:s4] =	ssyncset.s32 $0xFFFFF086  }
0x25: {  	[simem:s6], [sflag:s4] =	dma.local [hbm:s3], $0xF7A  }
0x26: {  	[smem:$0x3F9C] =	sst s1;
	(tag) =	ssettag s2;
	_ =	strace s9  }
0x27: {  	s1 =	sld [smem:$0x3FAC]  }
0x28: {  	s2 =	sld [smem:$0x3FAD]  }
0x29: {  	s4 =	sld [smem:$0x3FAF]  }
0x2a: {  	p0 =	seq.s32 s5, $0x0;
	s5 =	sld [smem:$0x3FB0]  }
0x2b: {  	s6 =	sld [smem:$0x3FB1]  }
0x2c: {  	s7 =	sld [smem:$0x3FB2]  }
0x2d: {  	s3 =	simm.s32 $0x108;
	s8 =	sld [smem:$0x3FB3]  }
0x2e: {  	s3 =	simm.s32 @!p0 $0x1082;
	s9 =	sld [smem:$0x3FB4]  }
0x2f: {  	lr =	sadd.s32 s0, s3;
	s0 =	sld [smem:$0x3FAB]  }
0x30: {  	s3 =	sld [smem:$0x3FAE]  }
0x31: {  	[smem:$0x3FB7] =	sst s10  }
0x32: {  	s10 =	sld [smem:$0x3FB5];
	_ =	sdelay $0x3  }
0x33: {  	p0 =	seq.s32 s10, $0x1;
	s10 =	sld [smem:$0x3FB7];
	_ =	sdelay $0x3  }
0x34: {  	[smem:$0x3FB7] =	sst s10  }
0x35: {  	s10 =	sld [smem:$0x3FB6];
	_ =	sdelay $0x3  }
0x36: {  	p1 =	seq.s32 s10, $0x1;
	s10 =	sld [smem:$0x3FB7];
	_ =	sdelay $0x3  }
0x37: {  	[smem:$0x3FB7] =	sst s10  }
0x38: {  	s10 =	sld [smem:$0x3FB8]  }
0x39: {  	_ = 	snop;
	(pc) =	sbr.ind lr, $3  }
0x3a: {  	_ = 	snop  }
0x3b: {  	_ = 	snop  }
0x3c: {  	p2 =	seq.s32 s10, $0x1;
	s10 =	sld [smem:$0x3FB7]  }
0x3d: {  	_ =	shalt  }
0x3e: {  	_ =	shalt  }
0x3f: {  	_ =	shalt  }
0x40: {  	_ =	shalt  }
0x41: {  	_ =	shalt  }
0x42: {  	_ =	shalt  }
0x43: {  	_ =	shalt  }
0x44: {  	_ =	shalt  }
0x45: {  	_ =	shalt  }
0x46: {  	_ =	shalt  }
0x47: {  	_ =	shalt  }
0x48: {  	_ =	shalt  }
0x49: {  	_ =	shalt  }
0x4a: {  	_ =	shalt  }
0x4b: {  	_ =	shalt  }
0x4c: {  	_ =	shalt  }
0x4d: {  	_ =	shalt  }
0x4e: {  	_ =	shalt  }
0x4f: {  	_ =	shalt  }
0x50: {  	_ =	shalt  }
0x51: {  	_ =	shalt  }
0x52: {  	_ =	shalt  }
0x53: {  	_ =	shalt  }
0x54: {  	_ =	shalt  }
0x55: {  	_ =	shalt  }
0x56: {  	_ =	shalt  }
0x57: {  	_ =	shalt  }
0x58: {  	_ =	shalt  }
0x59: {  	_ =	shalt  }
0x5a: {  	_ =	shalt  }
0x5b: {  	_ =	shalt  }
0x5c: {  	_ =	shalt  }
0x5d: {  	_ =	shalt  }
0x5e: {  	_ =	shalt  }
0x5f: {  	_ =	shalt  }
0x60: {  	_ =	shalt  }
0x61: {  	_ =	shalt  }
0x62: {  	_ =	shalt  }
0x63: {  	_ =	shalt  }
0x64: {  	_ =	shalt  }
0x65: {  	_ =	shalt  }
0x66: {  	_ =	shalt  }
0x67: {  	_ =	shalt  }
0x68: {  	_ =	shalt  }
0x69: {  	_ =	shalt  }
0x6a: {  	_ =	shalt  }
0x6b: {  	_ =	shalt  }
0x6c: {  	_ =	shalt  }
0x6d: {  	_ =	shalt  }
0x6e: {  	_ =	shalt  }
0x6f: {  	_ =	shalt  }
0x70: {  	_ =	shalt  }
0x71: {  	_ =	shalt  }
0x72: {  	_ =	shalt  }
0x73: {  	_ =	shalt  }
0x74: {  	_ =	shalt  }
0x75: {  	_ =	shalt  }
0x76: {  	_ =	shalt  }
0x77: {  	_ =	shalt  }
0x78: {  	_ =	shalt  }
0x79: {  	_ =	shalt  }
0x7a: {  	_ =	shalt  }
0x7b: {  	_ =	shalt  }
0x7c: {  	_ =	shalt  }
0x7d: {  	_ =	shalt  }
0x7e: {  	_ =	shalt  }
0x7f: {  	_ =	shalt  }
0x80: {  	_ =	shalt  }
0x81: {  	_ =	shalt  }
0x82: {  	_ =	shalt  }
0x83: {  	_ =	shalt  }
0x84: {  	_ =	shalt  }
0x85: {  	_ =	shalt  }
0x86: {  	_ =	shalt  }
0x87: {  	_ =	shalt  }
.Lfunc_end0:
.L_simem_size_0:
called_computation_lowered:
.L_overlay_start_0:
0x88: {  	s2 =	sld [smem:$0x3FD9]  }
0x89: {  	s3 =	sld [smem:$0x3FFE];
	_ =	sdelay $0x1  }
0x8a: {  	s1 =	srdreg.scid  }
0x8b: {  	s0 =	sand.u32 $0x1, s1  }
0x8c: {  	s17 =	sshll.u32 s0, $0xA;
	s2 =	sadd.s32 s3, s2  }
0x8d: {  	s2 =	sadd.s32 s2, s17  }
0x8e: {  	[smem:$0x3FC3] =	sst s2  }
0x8f: {  	_ = 	snop  }
0x90: {  	s18 =	sld [smem:$0x3FC9]  }
0x91: {  	s4 =	sld [smem:$0x3FD0];
	(tm) =	ssettm $0x1  }
0x92: {  	s19 =	sld [smem:$0x3FFB];
	_ =	sdelay $0x3  }
0x93: {  	_ =	strace s19  }
0x94: {  	s2 =	sld [smem:$0x3FFC];
	_ =	sdelay $0x3  }
0x95: {  	_ =	strace s2  }
0x96: {  	s2 =	sld [smem:$0x3FFD];
	_ =	sdelay $0x3  }
0x97: {  	_ =	strace s2  }
0x98: {  	_ =	strace $0x8FFFFFFF  }
0x99: {  	s20 =	sld [smem:$0x3FDB];
	_ =	sdelay $0x1  }
0x9a: {  	s5 =	simm.s32 $_scs_section_size  }
0x9b: {  	s6 =	simm.s32 $_size__tile_overlayer_lowered;
	s7 =	simm.s32 $_tile_overlayer_lowered  }
0x9c: {  	s8 =	simm.s32 $0x1BFF;
	s21 =	sshll.u32 s7, $0x1;
	s5 =	sadd.s32 s5, s20  }
0x9d: {  	s22 =	simm.s32 $0x0;
	s6 =	sshll.u32 s6, $0x1;
	s7 =	sadd.s32 s21, s5  }
0x9e: {  	[timem:s22], [sflag:s8] =	dma.local [hbm:s7], s6  }
0x9f: {  	_ =	swait.ge [sflag:s8], s6  }
0xa0: {  	s6 =	ssub.s32 $0x0, s6;
	[sflag:s8] =	ssyncset.done $0x0  }
0xa1: {  	[sflag:s8] =	ssyncadd.s32 s6;
	_ =	sdelay $0x1  }
0xa2: {  	s23 =	simm.s32 $0x1B8B  }
0xa3: {  	_ =	swait.ge [sflag:s23], $0x1  }
0xa4: {  	[sflag:s23] =	ssyncset.done $0x0  }
0xa5: {  	[sflag:s23] =	ssyncadd.s32 $0xFFFFFFFF  }
0xa6: {  	s6 =	sld [smem:$0x0]  }
0xa7: {  	s7 =	sand.u32 $0xFFFFFFFE, s1  }
0xa8: {  	p0 =	sne.s32 s1, s7  }
0xa9: {  	s7 =	sshll.u32 @p0 s7, $0xE  }
0xaa: {  	s7 =	sadd.s32 @p0 $0x11B8D, s7;
	s8 =	sshll.u32 @p0 s6, $0x11  }
0xab: {  	s7 =	sor.u32 @p0 s8, s7  }
0xac: {  	[sflag:s7] =	ssyncadd.remote.s32 @p0 $0x1;
	_ =	sdelay $0x1  }
0xad: {  	s7 =	simm.s32 @p0 $0x1B8D  }
0xae: {  	_ =	swait.eq @p0 [sflag:s7], $0x1  }
0xaf: {  	[sflag:s7] =	ssyncadd.s32 @p0 $0xFFFFFFFF  }
0xb0: {  	s8 =	sshll.u32 @!p0 s1, $0xE  }
0xb1: {  	s8 =	sor.u32 @!p0 $0x4000, s8;
	s7 =	simm.s32 @!p0 $0x1B8D  }
0xb2: {  	s6 =	sshll.u32 @!p0 s6, $0x11;
	s8 =	sadd.s32 @!p0 $0x11B8D, s8;
	_ =	swait.eq @!p0 [sflag:s7], $0x1  }
0xb3: {  	s6 =	sor.u32 @!p0 s6, s8;
	[sflag:s7] =	ssyncadd.s32 @!p0 $0xFFFFFFFF  }
0xb4: {  	s25 =	simm.s32 $0x1B8E;
	s24 =	sld [smem:$0x3FFE];
	[sflag:s6] =	ssyncadd.remote.s32 @!p0 $0x1  }
0xb5: {  	s26 =	simm.s32 $execute0_lowered;
	[smem:$0x3FD2] =	sst s25  }
0xb6: {  	s7 =	sshll.u32 s26, $0x1;
	_ =	strace $0x80000049;
	[dreg:$0x1] =	wrdreg $0xFFFFFFFF  }
0xb7: {  	s28 =	simm.s32 $_size_execute0_lowered;
	s5 =	sadd.s32 s5, s7;
	[dreg:$0x0] =	wrdreg $0x0  }
0xb8: {  	s7 =	sshll.u32 s28, $0x1;
	[dreg:$0x2] =	wrdreg s5  }
0xb9: {  	[dreg:$0x3] =	wrdreg s7  }
0xba: {  	[dreg:$0x4] =	wrdreg $0xC0  }
0xbb: {  	_ =	task [dreg:s22], $0x5FFFF  }
0xbc: {  	[dreg:$0x1] =	wrdreg $0xFFFFFFFF  }
0xbd: {  	[dreg:$0x0] =	wrdreg $0x60  }
0xbe: {  	[dreg:$0x2] =	wrdreg s18  }
0xbf: {  	[dreg:$0x3] =	wrdreg s4  }
0xc0: {  	[dreg:$0x4] =	wrdreg s24  }
0xc1: {  	[dreg:$0x5] =	wrdreg $0x9  }
0xc2: {  	_ =	task.clear_ibuf [dreg:s22], $0x6FFFF;
	_ =	strace $0x90000049  }
0xc3: {  	s29 =	simm.s32 $0x9;
	_ =	strace $0x8000004B  }
0xc4: {  	_ =	swait.ge [sflag:s29], $0x1  }
0xc5: {  	[sflag:s29] =	ssyncadd.s32 $0xFFFFFFFF  }
0xc6: {  	_ =	strace $0x9000004B  }
0xc7: {  	_ =	sfence  }
0xc8: {  	s30 =	sld [smem:$0x0];
	_ =	sdelay $0x2  }
0xc9: {  	s31 =	sshll.u32 s1, $0xD;
	s1 =	sshrl.u32 s1, $0x2  }
0xca: {  	s4 =	sand.u32 $0x4000, s31;
	s1 =	sadd.s32 s1, s30  }
0xcb: {  	s0 =	sor.u32 s4, s0;
	s1 =	sshll.u32 s1, $0x11  }
0xcc: {  	s0 =	sor.u32 s1, s0  }
0xcd: {  	s0 =	sadd.s32 $0x8F2B, s0  }
0xce: {  	[sflag:s0] =	ssyncadd.remote.s32 $0x1  }
0xcf: {  	_ =	sfence.sel $0xFFFF  }
0xd0: {  	[dreg:$0x0] =	wrdreg $0xFFFFFFFF;
	(pc) =	sbr.abs _section_cstart, $3  }
0xd1: {  	[dreg:$0x1] =	wrdreg $0xFFFFFFFF  }
0xd2: {  	_ =	task.clear_ibuf [dreg:s22], $0x2FFFF;
	_ =	strace $0x9FFFFFFF  }
0xd3: {  	(tm) =	ssettm $0x7FFFFFFF  }
tec
execute0_lowered:
.L_overlay_start_1:
0x0: {  	(tag) =	ssettag $0x1  }
0x1: {  	s2 =	rddreg [dreg:$0x0]  }
0x2: {  	s1 =	srdreg.scid;
	s3 =	rddreg [dreg:$0x1]  }
0x3: {  	s0 =	stileid.u32;
	s5 =	rddreg [dreg:$0x2]  }
0x4: {  	s9 =	simm.s32 $0x1;
	s10 =	simm.s32 $0x3;
	s1 =	sshll.u32 s1, $0x8  }
0x5: {  	s13 =	simm.s32 $0x0;
	s4 =	sshll.u32 s0, $0x9;
	s6 =	sand.u32 $0x100, s1  }
0x6: {  	s12 =	simm.s32 $0x0;
	s5 =	sadd.s32 $0x82000, s5;
	s4 =	sor.u32 s4, s6  }
0x7: {  	s1 =	rddreg [dreg:$0x3];
	_ =	strace $0x8000004A;
	s8 =	ssub.s32 $0x4000, s4  }
.Ltmp0:
0x8: {  	s6 =	simm.s32 $0x1;
	s7 =	sand.u32 $0x1F00, s8;
	(pc) =	sbr.rel .LBB2_1-.Ltmp0, $4  }
0x9: {  	[sflag:s6] =	ssyncpa.u1 $0x0;
	s11 =	smov.u32 s4;
	p0 =	sne.s32 s7, $0x0  }
0xa: {  	s8 =	sshrl.u32 s8, $0xD;
	s7 =	simm.s32 $0x2;
	s9 =	simm.s32 @!p0 $0x0  }
0xb: {  	[sflag:s7] =	ssyncpa.u1 $0x0;
	p0 =	por $0x0, $0x0;
	s8 =	sadd.s32 s9, s8  }
0xc: {  	vm0 =	vmmov $0xffff;
	[sflag:s10] =	ssyncpa.u1 $0x0;
	s10 =	simm.s32 $0x0;
	s9 =	sadd.s32 $0x1, s8  }
.LBB2_4:
0xd: {  	v2 =	vnsel vm1, $0x0, v2  }
0xe: {  	vm1 =	vgt.s32 v0, $0x0;
	v2 =	vmin.u32 v2, $0x3FFF  }
0xf: {  	v0 =	vnsel vm1, $0x0, v0  }
0x10: {  	v0 =	vmin.u32 v0, $0x3FFF  }
0x11: {  	[tilespmem:s15], [sflag:$0x1] =	stream.indirect_vreg.gather [hbm4b:s2+s10], $0x1, v1, vm0, $0x4038;
	[tilespmem:$0x400] =	vst v63  }
0x12: {  	(ifvalue) =	ssetifvalue $0x7FFFFFFF  }
0x13: {  	[tilespmem:s16], [sflag:$0x1] =	stream.indirect_vreg.gather [hbm4b:s2+s10], $0x1, v2, vm0, $0x4038;
	[tilespmem:$0x400] =	vst v63  }
0x14: {  	s29 =	sadd.s32 $0x10, s16;
	(ifvalue) =	ssetifvalue $0x7FFFFFFF  }
0x15: {  	[tilespmem:s29], [sflag:$0x1] =	stream.indirect_vreg.gather [hbm4b:s2+s10], $0x1, v0, vm0, $0x4038;
	[tilespmem:$0x400] =	vst v63  }
0x16: {  	_ =	swait.ge [sflag:s6], $0x100  }
0x17: {  	s30 =	sshrl.u32 s13, $0x3;
	[sflag:s6] =	ssyncset.done $0x0  }
0x18: {  	s31 =	sand.u32 $0x7, s13;
	s15 =	sadd.s32 s5, s30;
	[sflag:s6] =	ssyncadd.s32 $0xFFFFFF00  }
0x19: {  	[hbm4b:s15+s31] =	stream.linear.scatter [tilespmem:s14], [sflag:$0x3], $0x100, $0x38;
	[tilespmem:$0x400] =	vst v63  }
.LBB2_5:
0x1a: {  	s15 =	sadd.s32 $0x2000, s11  }
0x1b: {  	p2 =	sgt.s32 s15, $0x3FFF  }
0x1c: {  	s15 =	smov.u32 @p2 s4;
	p2 =	sne.s32 s12, s9  }
.Ltmp1:
0x1d: {  	p1 =	slt.u32 s12, $0x2;
	(pc) =	sbr.rel @!p2 .LBB2_6-.Ltmp1, $4  }
0x1e: {  	s14 =	simm.s32 @!p1 $0x3  }
0x1f: {  	s16 =	sadd.s32 $0x1, s12;
	_ =	swait.ge @!p1 [sflag:s14], $0x100  }
0x20: {  	s13 =	smov.u32 s11;
	p0 =	por !p0, !p0;
	[sflag:s14] =	ssyncset.done @!p1 $0x0  }
0x21: {  	s12 =	smov.u32 s16;
	s11 =	smov.u32 s15;
	[sflag:s14] =	ssyncadd.s32 @!p1 $0xFFFFFF00  }
.LBB2_1:
0x22: {  	p1 =	sge.u32 s12, s8  }
0x23: {  	s14 =	sxor.u32 @!p1 $0xFFFFFFFF, s12  }
0x24: {  	s31 =	sadd.s32 $0xFFFFFFFF, s12;
	s15 =	sshrl.u32 @!p1 s11, $0x3;
	s14 =	sshll.u32 @!p1 s14, $0x8  }
0x25: {  	s16 =	sand.u32 @!p1 $0x7, s11;
	s15 =	sadd.s32 @!p1 s3, s15;
	s14 =	sand.u32 @!p1 $0x100, s14  }
0x26: {  	[tilespmem:s14], [sflag:$0x2] =	stream.linear.gather @!p1 [hbm4b:s15+s16], $0x100, $0x38;
	[tilespmem:$0x400] =	vst v63  }
0x27: {  	p1 =	sge.u32 s31, s8  }
.Ltmp2:
0x28: {  	_ = 	snop;
	(pc) =	sbr.rel @p1 .LBB2_5-.Ltmp2, $1  }
0x29: {  	_ =	sdelay $0x3  }
0x2a: {  	s14 =	simm.s32 $0x1  }
0x2b: {  	_ =	swait.ge [sflag:s7], $0x100;
	s14 =	simm.s32 @!p0 $0x0  }
0x2c: {  	[sflag:s7] =	ssyncset.done $0x0;
	s14 =	sshll.u32 s14, $0x8  }
0x2d: {  	[sflag:s7] =	ssyncadd.s32 $0xFFFFFF00;
	(ifvalue) =	ssetifvalue $0x7FFFFFFF;
	v0 =	vld.msk [tilespmem:s14+$0x0 ss:$0x1], $0xffff;
	_ =	sdelay $0x4  }
0x2e: {  	s15 =	sadd.s32 $0x10, s14;
	vm1 =	vgt.s32 v0, $0x0  }
0x2f: {  	v2 =	vld.msk [tilespmem:s15+$0x0 ss:$0x1], $0xffff;
	v1 =	vnsel vm1, $0x0, v0  }
0x30: {  	v1 =	vmin.u32 v1, $0x3FFF;
	_ =	sdelay $0x1  }
0x31: {  	s16 =	sshll.u32 s12, $0x8;
	s18 =	simm.s32 $0x20  }
0x32: {  	s16 =	sand.u32 $0x100, s16;
	s17 =	sadd.s32 $0x10, s15;
	s15 =	sor.u32 $0x200, s14  }
0x33: {  	s14 =	sor.u32 $0x200, s16;
	s16 =	sadd.s32 $0x10, s15;
	v0 =	vld.msk [tilespmem:s17+$0x0 ss:$0x1], $0xffff;
	vm1 =	vgt.s32 v2, $0x0;
	(ifvalue) =	ssetifvalue $0x7FFFFFFF  }
.LBB2_3:
0x34: {  	[tilespmem:s15], [sflag:$0x1] =	stream.indirect_vreg.gather [hbm4b:s2+s10], $0x1, v1, vm0, $0x4038;
	[tilespmem:$0x400] =	vst v63  }
0x35: {  	s18 =	sadd.s32 $0x10, s18  }
0x36: {  	v2 =	vnsel vm1, $0x0, v2;
	p1 =	slt.u32 s18, $0xF0  }
.Ltmp3:
0x37: {  	s15 =	smov.u32 s16;
	v1 =	vmin.u32 v2, $0x3FFF;
	(pc) =	sbr.rel @p1 .LBB2_3-.Ltmp3, $3  }
0x38: {  	_ =	sdelay $0x1  }
0x39: {  	s17 =	sadd.s32 $0x10, s17  }
0x3a: {  	vm1 =	vgt.s32 v0, $0x0;
	s16 =	sadd.s32 $0x10, s16;
	v2 =	vmov v0;
	(ifvalue) =	ssetifvalue $0x7FFFFFFF;
	v0 =	vld.msk [tilespmem:s17+$0x0 ss:$0x1], $0xffff  }
.Ltmp4:
0x3b: {  	_ = 	snop;
	(pc) =	sbr.rel .LBB2_4-.Ltmp4, $1  }
0x3c: {  	_ =	sdelay $0x3  }
.LBB2_6:
0x3d: {  	_ =	sfence.sel $0x180000  }
0x3e: {  	s2 =	simm.s32 $0x2;
	[bflag:$0x0] =	sbarrier.arrive $0xFFFF  }
0x3f: {  	s30 =	simm.s32 $0x3;
	[sflag:s2] =	ssyncpa.u1 $0x1  }
0x40: {  	s31 =	simm.s32 $0x1;
	[sflag:s30] =	ssyncpa.u1 $0x1  }
0x41: {  	[sflag:s31] =	ssyncpa.u1 $0x1  }
0x42: {  	p0 =	sne.s32 s0, $0x0;
	_ =	strace $0x9000004A  }
0x43: {  	s0 =	sadd.s32 @!p0 $0x100000, s1;
	[bflag:$0x2] =	sbarrier.arrive $0xFFFF  }
0x44: {  	[sflag:s0] =	ssyncadd.tile.s32 @!p0 $0x1;
	_ =	shalt  }
.Lfunc_end2:
_tile_overlayer_lowered:
.L_overlay_start_2:
0x45: {  	(tag) =	ssettag $0x2  }
0x46: {  	s0 =	rddreg [dreg:$0x0];
	s2 =	stileid.u32  }
0x47: {  	s1 =	rddreg [dreg:$0x1];
	p0 =	sne.s32 s2, $0x0  }
0x48: {  	s3 =	rddreg [dreg:$0x2];
	[bflag:$0x3] =	sbarrier.arrive $0xFFFF;
	s2 =	simm.s32 @!p0 $0x1C01  }
0x49: {  	[timem:s3], [sflag:s2] =	dma.local @!p0 [hbm:s0], s1  }
0x4a: {  	s0 =	simm.s32 @!p0 $0x1  }
0x4b: {  	_ =	swait.ge @!p0 [sflag:s0], s1  }
0x4c: {  	s1 =	ssub.s32 @!p0 $0x0, s1;
	[sflag:s0] =	ssyncset.done @!p0 $0x0  }
0x4d: {  	[sflag:s0] =	ssyncadd.s32 @!p0 s1  }
0x4e: {  	[bflag:$0x3] =	sbarrier.arrive $0xFFFF  }
0x4f: {  	_ =	shalt  }

// kernel: kernel.3.cloned.1.call-start
scs
__scs_entry_jumppad:
0x0: {  	(pc) =	sbr.rel $0x88, $3  }
0x1: {  	(tag) =	ssettag $0x0;
	lr =	simm.s32 $0x1  }
0x2: {  	[smem:$0x3F9C] =	sst lr;
	_ =	strace $0xD0000000  }
0x3: {  	_ = 	snop  }
0x4: {  	_ = 	snop  }
0x5: {  	_ = 	snop  }
0x6: {  	_ = 	snop  }
0x7: {  	_ = 	snop  }
__scs_overlays_trampoline_lowered:
0x8: {  	[smem:$0x3FAB] =	sst s0  }
0x9: {  	[smem:$0x3FAC] =	sst s1  }
0xa: {  	[smem:$0x3FAD] =	sst s2  }
0xb: {  	[smem:$0x3FAE] =	sst s3  }
0xc: {  	[smem:$0x3FAF] =	sst s4  }
0xd: {  	[smem:$0x3FB0] =	sst s5  }
0xe: {  	[smem:$0x3FB1] =	sst s6  }
0xf: {  	[smem:$0x3FB2] =	sst s7  }
0x10: {  	[smem:$0x3FB3] =	sst s8  }
0x11: {  	[smem:$0x3FB4] =	sst s9;
	s0 =	simm.s32 @!p0 $0x0  }
0x12: {  	s1 =	sld [smem:$0x3F9A];
	s0 =	simm.s32 @p0 $0x1  }
0x13: {  	[smem:$0x3FB5] =	sst s0;
	s0 =	simm.s32 @!p1 $0x0  }
0x14: {  	s2 =	sld [smem:$0x3F99];
	s0 =	simm.s32 @p1 $0x1  }
0x15: {  	[smem:$0x3FB6] =	sst s0;
	s0 =	simm.s32 @!p2 $0x0  }
0x16: {  	s3 =	sld [smem:$0x3FDB];
	s0 =	simm.s32 @p2 $0x1  }
0x17: {  	s4 =	simm.s32 $0x1BF5;
	[smem:$0x3FB8] =	sst s0  }
0x18: {  	s0 =	sld [smem:$0x3F9B];
	_ =	swait.ge [sflag:s4], $0x0  }
0x19: {  	s7 =	sld [smem:$0x3F9C]  }
0x1a: {  	s8 =	sadd.s32 $0xFFFFE003, lr  }
0x1b: {  	s9 =	sadd.s32 $0xFFFFFEF7, lr;
	s5 =	simm.s32 $0xFFFFFFFF;
	p2 =	slt.u32 s8, $0xFFFFF086  }
0x1c: {  	p1 =	slt.u32 s9, $0xF7A;
	s5 =	simm.s32 @!p2 $0x0  }
0x1d: {  	s5 =	simm.s32 @p1 $0x1;
	p0 =	seq.s32 s7, s2  }
0x1e: {  	s7 =	smul.u32 @!p0 $0xF7A, s2;
	p2 =	seq.s32 @!p0 s5, $0x0  }
0x1f: {  	s9 =	smul.u32 $0xF7A, s1;
	s8 =	simm.s32 @!p0 $0x1BF5;
	p2 =	por !p2, p0  }
0x20: {  	[sflag:s8] =	ssyncset.s32 @!p0 $0xFFFFF086;
	s6 =	sadd.s32 @!p0 s3, s7;
	s7 =	simm.s32 @!p0 $0x108  }
0x21: {  	s3 =	sadd.s32 s3, s9;
	s6 =	sadd.s32 @!p0 $0x88, s6;
	s7 =	simm.s32 @p2 $0x1082  }
0x22: {  	[simem:s7], [sflag:s8] =	dma.local @!p0 [hbm:s6], $0xF7A  }
0x23: {  	s9 =	sor.u32 $0xD0000000, s2;
	s6 =	simm.s32 $0x108;
	_ =	swait.ge @!p0 [sflag:s8], $0x0  }
0x24: {  	s3 =	sadd.s32 $0x88, s3;
	s6 =	simm.s32 @!p1 $0x1082;
	[sflag:s4] =	ssyncset.s32 $0xFFFFF086  }
0x25: {  	[simem:s6], [sflag:s4] =	dma.local [hbm:s3], $0xF7A  }
0x26: {  	[smem:$0x3F9C] =	sst s1;
	(tag) =	ssettag s2;
	_ =	strace s9  }
0x27: {  	s1 =	sld [smem:$0x3FAC]  }
0x28: {  	s2 =	sld [smem:$0x3FAD]  }
0x29: {  	s4 =	sld [smem:$0x3FAF]  }
0x2a: {  	p0 =	seq.s32 s5, $0x0;
	s5 =	sld [smem:$0x3FB0]  }
0x2b: {  	s6 =	sld [smem:$0x3FB1]  }
0x2c: {  	s7 =	sld [smem:$0x3FB2]  }
0x2d: {  	s3 =	simm.s32 $0x108;
	s8 =	sld [smem:$0x3FB3]  }
0x2e: {  	s3 =	simm.s32 @!p0 $0x1082;
	s9 =	sld [smem:$0x3FB4]  }
0x2f: {  	lr =	sadd.s32 s0, s3;
	s0 =	sld [smem:$0x3FAB]  }
0x30: {  	s3 =	sld [smem:$0x3FAE]  }
0x31: {  	[smem:$0x3FB7] =	sst s10  }
0x32: {  	s10 =	sld [smem:$0x3FB5];
	_ =	sdelay $0x3  }
0x33: {  	p0 =	seq.s32 s10, $0x1;
	s10 =	sld [smem:$0x3FB7];
	_ =	sdelay $0x3  }
0x34: {  	[smem:$0x3FB7] =	sst s10  }
0x35: {  	s10 =	sld [smem:$0x3FB6];
	_ =	sdelay $0x3  }
0x36: {  	p1 =	seq.s32 s10, $0x1;
	s10 =	sld [smem:$0x3FB7];
	_ =	sdelay $0x3  }
0x37: {  	[smem:$0x3FB7] =	sst s10  }
0x38: {  	s10 =	sld [smem:$0x3FB8]  }
0x39: {  	_ = 	snop;
	(pc) =	sbr.ind lr, $3  }
0x3a: {  	_ = 	snop  }
0x3b: {  	_ = 	snop  }
0x3c: {  	p2 =	seq.s32 s10, $0x1;
	s10 =	sld [smem:$0x3FB7]  }
0x3d: {  	_ =	shalt  }
0x3e: {  	_ =	shalt  }
0x3f: {  	_ =	shalt  }
0x40: {  	_ =	shalt  }
0x41: {  	_ =	shalt  }
0x42: {  	_ =	shalt  }
0x43: {  	_ =	shalt  }
0x44: {  	_ =	shalt  }
0x45: {  	_ =	shalt  }
0x46: {  	_ =	shalt  }
0x47: {  	_ =	shalt  }
0x48: {  	_ =	shalt  }
0x49: {  	_ =	shalt  }
0x4a: {  	_ =	shalt  }
0x4b: {  	_ =	shalt  }
0x4c: {  	_ =	shalt  }
0x4d: {  	_ =	shalt  }
0x4e: {  	_ =	shalt  }
0x4f: {  	_ =	shalt  }
0x50: {  	_ =	shalt  }
0x51: {  	_ =	shalt  }
0x52: {  	_ =	shalt  }
0x53: {  	_ =	shalt  }
0x54: {  	_ =	shalt  }
0x55: {  	_ =	shalt  }
0x56: {  	_ =	shalt  }
0x57: {  	_ =	shalt  }
0x58: {  	_ =	shalt  }
0x59: {  	_ =	shalt  }
0x5a: {  	_ =	shalt  }
0x5b: {  	_ =	shalt  }
0x5c: {  	_ =	shalt  }
0x5d: {  	_ =	shalt  }
0x5e: {  	_ =	shalt  }
0x5f: {  	_ =	shalt  }
0x60: {  	_ =	shalt  }
0x61: {  	_ =	shalt  }
0x62: {  	_ =	shalt  }
0x63: {  	_ =	shalt  }
0x64: {  	_ =	shalt  }
0x65: {  	_ =	shalt  }
0x66: {  	_ =	shalt  }
0x67: {  	_ =	shalt  }
0x68: {  	_ =	shalt  }
0x69: {  	_ =	shalt  }
0x6a: {  	_ =	shalt  }
0x6b: {  	_ =	shalt  }
0x6c: {  	_ =	shalt  }
0x6d: {  	_ =	shalt  }
0x6e: {  	_ =	shalt  }
0x6f: {  	_ =	shalt  }
0x70: {  	_ =	shalt  }
0x71: {  	_ =	shalt  }
0x72: {  	_ =	shalt  }
0x73: {  	_ =	shalt  }
0x74: {  	_ =	shalt  }
0x75: {  	_ =	shalt  }
0x76: {  	_ =	shalt  }
0x77: {  	_ =	shalt  }
0x78: {  	_ =	shalt  }
0x79: {  	_ =	shalt  }
0x7a: {  	_ =	shalt  }
0x7b: {  	_ =	shalt  }
0x7c: {  	_ =	shalt  }
0x7d: {  	_ =	shalt  }
0x7e: {  	_ =	shalt  }
0x7f: {  	_ =	shalt  }
0x80: {  	_ =	shalt  }
0x81: {  	_ =	shalt  }
0x82: {  	_ =	shalt  }
0x83: {  	_ =	shalt  }
0x84: {  	_ =	shalt  }
0x85: {  	_ =	shalt  }
0x86: {  	_ =	shalt  }
0x87: {  	_ =	shalt  }
.Lfunc_end0:
.L_simem_size_0:
called_computation.2_lowered:
.L_overlay_start_0:
0x88: {  	s2 =	sld [smem:$0x3FD9]  }
0x89: {  	s3 =	sld [smem:$0x3FFE];
	_ =	sdelay $0x1  }
0x8a: {  	s1 =	srdreg.scid  }
0x8b: {  	s0 =	sand.u32 $0x1, s1  }
0x8c: {  	s17 =	sshll.u32 s0, $0xA;
	s2 =	sadd.s32 s3, s2  }
0x8d: {  	s2 =	sadd.s32 s2, s17  }
0x8e: {  	[smem:$0x3FC3] =	sst s2  }
0x8f: {  	_ = 	snop  }
0x90: {  	s2 =	sld [smem:$0x3FC6]  }
0x91: {  	s18 =	sld [smem:$0x3FC5]  }
0x92: {  	s4 =	sld [smem:$0x3FD0];
	(tm) =	ssettm $0x1  }
0x93: {  	s5 =	sld [smem:$0x3FFB];
	_ =	sdelay $0x3  }
0x94: {  	_ =	strace s5  }
0x95: {  	s5 =	sld [smem:$0x3FFC];
	_ =	sdelay $0x3  }
0x96: {  	_ =	strace s5  }
0x97: {  	s5 =	sld [smem:$0x3FFD];
	_ =	sdelay $0x3  }
0x98: {  	_ =	strace s5  }
0x99: {  	_ =	strace $0x8FFFFFFF  }
0x9a: {  	s19 =	sld [smem:$0x3FDB];
	_ =	sdelay $0x1  }
0x9b: {  	s6 =	simm.s32 $_scs_section_size  }
0x9c: {  	s7 =	simm.s32 $_size__tile_overlayer_lowered;
	s8 =	simm.s32 $_tile_overlayer_lowered  }
0x9d: {  	s22 =	simm.s32 $0x1BFF;
	s21 =	sshll.u32 s8, $0x1;
	s5 =	sadd.s32 s6, s19  }
0x9e: {  	s9 =	simm.s32 $0x0;
	s20 =	sshll.u32 s7, $0x1;
	s7 =	sadd.s32 s21, s5  }
0x9f: {  	[timem:s9], [sflag:s22] =	dma.local [hbm:s7], s20  }
0xa0: {  	_ =	swait.ge [sflag:s22], s20  }
0xa1: {  	s6 =	ssub.s32 $0x0, s20;
	[sflag:s22] =	ssyncset.done $0x0  }
0xa2: {  	[sflag:s22] =	ssyncadd.s32 s6;
	_ =	sdelay $0x1  }
0xa3: {  	s23 =	simm.s32 $0x1B8B  }
0xa4: {  	_ =	swait.ge [sflag:s23], $0x1  }
0xa5: {  	[sflag:s23] =	ssyncset.done $0x0  }
0xa6: {  	s25 =	simm.s32 $0x1B8E;
	s24 =	sld [smem:$0x3FFE];
	[sflag:s23] =	ssyncadd.s32 $0xFFFFFFFF  }
0xa7: {  	s26 =	simm.s32 $execute0_lowered;
	[smem:$0x3FD2] =	sst s25  }
0xa8: {  	s7 =	sshll.u32 s26, $0x1;
	_ =	strace $0x8000004C;
	[dreg:$0x1] =	wrdreg $0xFFFFFFFF  }
0xa9: {  	s28 =	simm.s32 $_size_execute0_lowered;
	s5 =	sadd.s32 s5, s7;
	[dreg:$0x0] =	wrdreg $0x0  }
0xaa: {  	s7 =	sshll.u32 s28, $0x1;
	[dreg:$0x2] =	wrdreg s5  }
0xab: {  	[dreg:$0x3] =	wrdreg s7  }
0xac: {  	[dreg:$0x4] =	wrdreg $0xC0  }
0xad: {  	_ =	task [dreg:s9], $0x5FFFF  }
0xae: {  	[dreg:$0x1] =	wrdreg $0xFFFFFFFF  }
0xaf: {  	[dreg:$0x0] =	wrdreg $0x60  }
0xb0: {  	[dreg:$0x2] =	wrdreg s24  }
0xb1: {  	[dreg:$0x3] =	wrdreg s2  }
0xb2: {  	[dreg:$0x4] =	wrdreg s18  }
0xb3: {  	[dreg:$0x5] =	wrdreg s4  }
0xb4: {  	[dreg:$0x6] =	wrdreg $0x9  }
0xb5: {  	_ =	task.clear_ibuf [dreg:s9], $0x7FFFF;
	_ =	strace $0x9000004C  }
0xb6: {  	s29 =	simm.s32 $0x9;
	_ =	strace $0x8000004E  }
0xb7: {  	_ =	swait.ge [sflag:s29], $0x1  }
0xb8: {  	[sflag:s29] =	ssyncadd.s32 $0xFFFFFFFF  }
0xb9: {  	_ =	strace $0x9000004E  }
0xba: {  	_ =	sfence  }
0xbb: {  	s30 =	sld [smem:$0x0];
	_ =	sdelay $0x2  }
0xbc: {  	s31 =	sshll.u32 s1, $0xD;
	s1 =	sshrl.u32 s1, $0x2  }
0xbd: {  	s3 =	sand.u32 $0x4000, s31;
	s1 =	sadd.s32 s1, s30  }
0xbe: {  	s0 =	sor.u32 s3, s0;
	s1 =	sshll.u32 s1, $0x11  }
0xbf: {  	s0 =	sor.u32 s1, s0  }
0xc0: {  	s0 =	sadd.s32 $0x8F2B, s0  }
0xc1: {  	[sflag:s0] =	ssyncadd.remote.s32 $0x1  }
0xc2: {  	_ =	sfence.sel $0xFFFF  }
0xc3: {  	[dreg:$0x0] =	wrdreg $0xFFFFFFFF;
	(pc) =	sbr.abs _section_cstart, $3  }
0xc4: {  	[dreg:$0x1] =	wrdreg $0xFFFFFFFF  }
0xc5: {  	_ =	task.clear_ibuf [dreg:s9], $0x2FFFF;
	_ =	strace $0x9FFFFFFF  }
0xc6: {  	(tm) =	ssettm $0x7FFFFFFF  }
0xc7: {  	_ =	shalt  }
tec
execute0_lowered:
.L_overlay_start_1:
0x0: {  	(tag) =	ssettag $0x1  }
0x1: {  	s0 =	rddreg [dreg:$0x0]  }
0x2: {  	s1 =	rddreg [dreg:$0x1]  }
0x3: {  	s3 =	rddreg [dreg:$0x2]  }
0x4: {  	s4 =	rddreg [dreg:$0x3]  }
0x5: {  	s2 =	srdreg.scid;
	s6 =	stileid.u32;
	s5 =	simm.s32 $0x0  }
0x6: {  	s30 =	simm.s32 $0x9;
	s31 =	simm.s32 $0x80;
	s28 =	simm.s32 $0xB  }
0x7: {  	s29 =	simm.s32 $0x0;
	s2 =	sand.u32 $0x1, s2;
	s6 =	sshll.u32 s6, $0x1  }
0x8: {  	[smem:$0x7FF] =	sst s5;
	s9 =	sadd.s32 $0x82000, s0;
	s8 =	sadd.s32 $0x81000, s0  }
0x9: {  	s6 =	sor.u32 s2, s6;
	_ =	strace $0x8000004D;
	s2 =	ssub.s32 $0x2, s2  }
0xa: {  	[dreg:$0x5] =	wrdreg s8;
	s7 =	sshll.u32 s6, $0xC;
	s23 =	sshrl.u32 s2, $0x1  }
0xb: {  	s6 =	sshll.u32 s6, $0x6;
	s10 =	sadd.s32 s7, s0;
	s2 =	ssub.s32 s2, s23  }
0xc: {  	s7 =	sadd.s32 s9, s6;
	s8 =	sadd.s32 s0, s6;
	s11 =	sor.u32 $0x10, s6  }
0xd: {  	s24 =	sor.u32 $0x20, s6;
	s6 =	sor.u32 $0x30, s6;
	s23 =	simm.s32 $0x800  }
0xe: {  	s12 =	sadd.s32 s9, s11;
	s11 =	sadd.s32 s0, s11;
	s25 =	sadd.s32 s9, s24  }
0xf: {  	s9 =	sadd.s32 s9, s6;
	s26 =	sadd.s32 $0x800, s8;
	[dreg:$0x6] =	wrdreg s12  }
0x10: {  	s16 =	sadd.s32 $0x1000, s10;
	s17 =	smax.u32 s2, $0x1;
	[dreg:$0x7] =	wrdreg s11  }
.Ltmp0:
0x11: {  	s2 =	simm.s32 $0xA;
	[dreg:$0x8] =	wrdreg s25;
	(pc) =	sbr.rel .LBB2_1-.Ltmp0, $4  }
0x12: {  	s11 =	sadd.s32 s0, s24;
	[dreg:$0xa] =	wrdreg s9;
	s0 =	sadd.s32 s0, s6  }
0x13: {  	[dreg:$0xc] =	wrdreg s26;
	s6 =	simm.s32 $0x700;
	s9 =	simm.s32 $0x780  }
0x14: {  	s24 =	simm.s32 $0x680;
	s25 =	simm.s32 $0x880;
	[dreg:$0x9] =	wrdreg s11  }
0x15: {  	v0 =	vlaneseq.u32;
	s26 =	simm.s32 $0xC;
	[dreg:$0xb] =	wrdreg s0;
	s0 =	simm.s32 $0x8  }
.LBB2_10:
0x16: {  	s6 =	simm.s32 $0x700;
	s9 =	simm.s32 $0x1EB00  }
0x17: {  	[hbm4b:s4+s31] =	stream.indirect.scatter [tilespmem:s9], [sflag:$0xB], $0x1, s6, s31, $0xb8;
	[tilespmem:$0x1ED00] =	vst v63  }
0x18: {  	s10 =	simm.s32 $0x1EB80;
	s9 =	simm.s32 $0x780  }
0x19: {  	[hbm4b:s4+s31] =	stream.indirect.scatter [tilespmem:s10], [sflag:$0xB], $0x1, s9, s31, $0xb8;
	[tilespmem:$0x1ED00] =	vst v63  }
0x1a: {  	s21 =	simm.s32 $0x1EC00  }
0x1b: {  	[hbm4b:s4+s31] =	stream.indirect.scatter [tilespmem:s21], [sflag:$0xB], $0x1, s23, s31, $0xb8;
	[tilespmem:$0x1ED00] =	vst v63  }
0x1c: {  	s22 =	simm.s32 $0x1EC80  }
0x1d: {  	[hbm4b:s4+s31] =	stream.indirect.scatter [tilespmem:s22], [sflag:$0xB], $0x1, s25, s31, $0xb8;
	[tilespmem:$0x1ED00] =	vst v63  }
0x1e: {  	_ =	swait.ge [sflag:s28], $0x80  }
0x1f: {  	[sflag:s28] =	ssyncset.done $0x0  }
0x20: {  	[sflag:s28] =	ssyncadd.s32 $0xFFFFFF80  }
0x21: {  	_ =	swait.ge [sflag:s28], $0x80  }
0x22: {  	[sflag:s28] =	ssyncset.done $0x0  }
0x23: {  	s29 =	sadd.s32 $0x1, s29;
	[sflag:s28] =	ssyncadd.s32 $0xFFFFFF80  }
0x24: {  	p0 =	sne.s32 s29, s17;
	_ =	swait.ge [sflag:s28], $0x80  }
.Ltmp1:
0x25: {  	[sflag:s28] =	ssyncset.done $0x0;
	(pc) =	sbr.rel @!p0 .LBB2_11-.Ltmp1, $4  }
0x26: {  	[sflag:s28] =	ssyncadd.s32 $0xFFFFFF80  }
0x27: {  	_ =	swait.ge [sflag:s28], $0x80  }
0x28: {  	[sflag:s28] =	ssyncset.done $0x0  }
0x29: {  	[sflag:s28] =	ssyncadd.s32 $0xFFFFFF80  }
.LBB2_1:
0x2a: {  	s10 =	simm.s32 $0x500  }
0x2b: {  	[tilespmem:s10], [sflag:$0x9] =	stream.linear.gather [hbm4b:s7+s5], $0x80, $0x38;
	[tilespmem:$0x1ED00] =	vst v63  }
0x2c: {  	_ = 	snop  }
0x2d: {  	[tilespmem:s6], [sflag:$0x9] =	stream.linear.gather [hbm4b:s8+s5], $0x80, $0x38;
	[tilespmem:$0x1ED00] =	vst v63  }
0x2e: {  	s19 =	rddreg [dreg:$0x6];
	s11 =	simm.s32 $0x580  }
0x2f: {  	[tilespmem:s11], [sflag:$0x9] =	stream.linear.gather [hbm4b:s19+s5], $0x80, $0x38;
	[tilespmem:$0x1ED00] =	vst v63  }
0x30: {  	s20 =	rddreg [dreg:$0x7]  }
0x31: {  	[tilespmem:s9], [sflag:$0x9] =	stream.linear.gather [hbm4b:s20+s5], $0x80, $0x38;
	[tilespmem:$0x1ED00] =	vst v63  }
0x32: {  	s21 =	rddreg [dreg:$0x8];
	s12 =	simm.s32 $0x600  }
0x33: {  	[tilespmem:s12], [sflag:$0x9] =	stream.linear.gather [hbm4b:s21+s5], $0x80, $0x38;
	[tilespmem:$0x1ED00] =	vst v63  }
0x34: {  	s22 =	rddreg [dreg:$0x9]  }
0x35: {  	[tilespmem:s23], [sflag:$0x9] =	stream.linear.gather [hbm4b:s22+s5], $0x80, $0x38;
	[tilespmem:$0x1ED00] =	vst v63  }
0x36: {  	s9 =	rddreg [dreg:$0xa]  }
0x37: {  	[tilespmem:s24], [sflag:$0x9] =	stream.linear.gather [hbm4b:s9+s5], $0x80, $0x38;
	[tilespmem:$0x1ED00] =	vst v63  }
0x38: {  	s13 =	rddreg [dreg:$0xb]  }
0x39: {  	[tilespmem:s25], [sflag:$0x9] =	stream.linear.gather [hbm4b:s13+s5], $0x80, $0x38;
	[tilespmem:$0x1ED00] =	vst v63  }
0x3a: {  	_ = 	snop  }
0x3b: {  	[tilespmem:s5], [sflag:$0xC] =	stream.linear.gather [hbm4b:s7+s5], $0x200, $0x38;
	[tilespmem:$0x1ED00] =	vst v63  }
0x3c: {  	_ =	swait.ge [sflag:s26], $0x200  }
0x3d: {  	[sflag:s26] =	ssyncset.done $0x0  }
0x3e: {  	s9 =	simm.s32 $0x280;
	s14 =	rddreg [dreg:$0xc];
	[sflag:s26] =	ssyncadd.s32 $0xFFFFFE00  }
0x3f: {  	[tilespmem:s9], [sflag:$0xC] =	stream.linear.gather [hbm4b:s14+s5], $0x200, $0x38;
	[tilespmem:$0x1ED00] =	vst v63  }
0x40: {  	_ =	swait.ge [sflag:s26], $0x200  }
0x41: {  	[sflag:s26] =	ssyncset.done $0x0  }
0x42: {  	s15 =	simm.s32 $0x16900;
	[sflag:s26] =	ssyncadd.s32 $0xFFFFFE00  }
0x43: {  	[tilespmem:s15], [sflag:$0xA] =	stream.linear.gather [hbm4b:s16+s5], $0x8000, $0x38;
	[tilespmem:$0x1ED00] =	vst v63  }
0x44: {  	s13 =	simm.s32 $0xE900;
	s18 =	rddreg [dreg:$0x5]  }
0x45: {  	[tilespmem:s13], [sflag:$0xA] =	stream.linear.gather [hbm4b:s18+s5], $0x8000, $0x38;
	[tilespmem:$0x1ED00] =	vst v63  }
0x46: {  	_ =	swait.ge [sflag:s30], $0x80  }
0x47: {  	[sflag:s30] =	ssyncset.done $0x0  }
0x48: {  	[sflag:s30] =	ssyncadd.s32 $0xFFFFFF80  }
0x49: {  	_ =	swait.ge [sflag:s30], $0x80  }
0x4a: {  	[sflag:s30] =	ssyncset.done $0x0  }
0x4b: {  	[sflag:s30] =	ssyncadd.s32 $0xFFFFFF80  }
0x4c: {  	_ =	swait.ge [sflag:s30], $0x80  }
0x4d: {  	[sflag:s30] =	ssyncset.done $0x0  }
0x4e: {  	[sflag:s30] =	ssyncadd.s32 $0xFFFFFF80  }
0x4f: {  	_ =	swait.ge [sflag:s30], $0x80  }
0x50: {  	[sflag:s30] =	ssyncset.done $0x0  }
0x51: {  	[sflag:s30] =	ssyncadd.s32 $0xFFFFFF80  }
0x52: {  	_ =	swait.ge [sflag:s30], $0x80  }
0x53: {  	[sflag:s30] =	ssyncset.done $0x0  }
0x54: {  	[sflag:s30] =	ssyncadd.s32 $0xFFFFFF80  }
0x55: {  	_ =	swait.ge [sflag:s30], $0x80  }
0x56: {  	[sflag:s30] =	ssyncset.done $0x0  }
0x57: {  	[sflag:s30] =	ssyncadd.s32 $0xFFFFFF80  }
0x58: {  	_ =	swait.ge [sflag:s30], $0x80  }
0x59: {  	[sflag:s30] =	ssyncset.done $0x0  }
0x5a: {  	[sflag:s30] =	ssyncadd.s32 $0xFFFFFF80  }
0x5b: {  	_ =	swait.ge [sflag:s30], $0x80  }
0x5c: {  	[sflag:s30] =	ssyncset.done $0x0  }
0x5d: {  	s19 =	simm.s32 $0x1E900;
	[sflag:s30] =	ssyncadd.s32 $0xFFFFFF80  }
0x5e: {  	[tilespmem:s19], [sflag:$0x8] =	stream.indirect.gather [hbm4b:s3+s31], $0x1, s10, s31, $0xb8;
	[tilespmem:$0x1ED00] =	vst v63  }
0x5f: {  	s20 =	simm.s32 $0x1E980  }
0x60: {  	[tilespmem:s20], [sflag:$0x8] =	stream.indirect.gather [hbm4b:s3+s31], $0x1, s11, s31, $0xb8;
	[tilespmem:$0x1ED00] =	vst v63  }
0x61: {  	s6 =	simm.s32 $0x0;
	s21 =	simm.s32 $0x1EA00  }
0x62: {  	[tilespmem:s21], [sflag:$0x8] =	stream.indirect.gather [hbm4b:s3+s31], $0x1, s12, s31, $0xb8;
	[tilespmem:$0x1ED00] =	vst v63  }
0x63: {  	s22 =	simm.s32 $0x1EA80;
	s10 =	simm.s32 $0x0;
	s11 =	simm.s32 $0x0  }
0x64: {  	[tilespmem:s22], [sflag:$0x8] =	stream.indirect.gather [hbm4b:s3+s31], $0x1, s24, s31, $0xb8;
	[tilespmem:$0x1ED00] =	vst v63  }
.LBB2_2:
0x65: {  	s12 =	smin.u32 s11, $0x1  }
0x66: {  	v1 =	vld [tilespmem:s10+$0x0];
	s12 =	sshll.u32 s12, $0x2  }
0x67: {  	s12 =	ssub.s32 $0x0, s12  }
0x68: {  	s12 =	sshra.s32 s12, $0x2  }
0x69: {  	s18 =	sadd.s32 s12, s10  }
0x6a: {  	v2 =	vld [tilespmem:s18+$0x0]  }
0x6b: {  	(v2sf) =	vpush v1, $0x0;
	_ =	sdelay $0x3  }
0x6c: {  	s12 =	sadd.s32 s12, s9;
	v1 =	vld [tilespmem:s9+$0x0];
	(v2sf) =	vpush v2, $0x0  }
0x6d: {  	v2 =	vld [tilespmem:s12+$0x0];
	_ =	sdelay $0x3  }
0x6e: {  	(v2sf) =	vpush v1, $0x0  }
0x6f: {  	(v2sf) =	vpush v2, $0x0;
	_ =	sdelay $0x4  }
0x70: {  	s15 =	spop (v2sf)  }
0x71: {  	s20 =	sshra.s32 s15, $0x1F  }
0x72: {  	s18 =	sshrl.u32 s20, $0x19;
	s20 =	sand.u32 $0x7F, s15  }
0x73: {  	p0 =	slt.s32 s15, $0x1;
	p1 =	sne.s32 s20, $0x0;
	s12 =	sadd.s32 s18, s15  }
0x74: {  	s20 =	simm.s32 $0x1;
	p0 =	por !p0, !p1;
	s19 =	spop (v2sf)  }
0x75: {  	s12 =	sshra.s32 s12, $0x7;
	p0 =	por !p0, !p0;
	s13 =	sand.u32 $0x7F, s19  }
0x76: {  	p2 =	slt.s32 s19, $0x1;
	s21 =	sshra.s32 s19, $0x1F;
	p3 =	sne.s32 s13, $0x0  }
0x77: {  	s20 =	simm.s32 @!p0 $0x0;
	s18 =	sshrl.u32 s21, $0x19;
	p3 =	por !p2, !p3  }
0x78: {  	s18 =	sadd.s32 s18, s19;
	s19 =	simm.s32 $0x1;
	p1 =	por !p3, !p3  }
0x79: {  	s13 =	spop (v2sf);
	s18 =	sshra.s32 s18, $0x7;
	s19 =	simm.s32 @!p1 $0x0  }
0x7a: {  	s12 =	ssub.s32 s12, s20;
	s22 =	spop (v2sf);
	s18 =	ssub.s32 s18, s19  }
0x7b: {  	p5 =	sne.s32 s13, s22;
	p4 =	sne.s32 s12, s18  }
0x7c: {  	p6 =	seq.s32 s11, $0x0;
	p0 =	por p5, p4  }
0x7d: {  	p0 =	por p6, p0  }
0x7e: {  	p1 =	slt.s32 @p0 s12, $0x30C  }
0x7f: {  	s13 =	sshrl.u32 @p0 s13, $0x3;
	p1 =	por !p1, !p0  }
0x80: {  	s13 =	smul.u32 @p0 $0xC3800, s13;
	s12 =	simm.s32 @p1 $0x30C  }
0x81: {  	s18 =	simm.s32 $0x1;
	s19 =	sshll.u32 @p0 s6, $0xD;
	s12 =	sshll.u32 @p0 s12, $0xA  }
0x82: {  	s18 =	simm.s32 @!p0 $0x0;
	s20 =	simm.s32 @p0 $0x400;
	s12 =	sadd.s32 @p0 s13, s12  }
0x83: {  	s21 =	simm.s32 @p0 $0xC3800;
	s13 =	sand.u32 @p0 $0x3FFFE000, s19;
	s12 =	sshrl.u32 @p0 s12, $0x3  }
0x84: {  	s19 =	sadd.s32 @p0 $0x1, s6;
	s13 =	sor.u32 @p0 $0x900, s13;
	s12 =	sadd.s32 @p0 s1, s12  }
0x85: {  	[tilespmem:s13], [sflag:s19] =	stream.strided.gather @p0 [hbm4b:s12+s20], $0x2000, s21, s20, $0x38;
	[tilespmem:$0x1ED00] =	vst v63  }
0x86: {  	s6 =	sadd.s32 s18, s6;
	p0 =	sgt.u32 s11, $0x1FE  }
0x87: {  	p1 =	slt.u32 @!p0 s6, $0x7  }
0x88: {  	p0 =	por p0, !p1  }
.Ltmp2:
0x89: {  	_ = 	snop;
	(pc) =	sbr.rel @!p0 .LBB2_2-.Ltmp2, $2  }
0x8a: {  	_ =	sdelay $0x2  }
0x8b: {  	s10 =	sadd.s32 $0x1, s10;
	s9 =	sadd.s32 $0x1, s9;
	s11 =	sadd.s32 $0x1, s11  }
0x8c: {  	_ =	swait.ge [sflag:s0], $0x80  }
0x8d: {  	[sflag:s0] =	ssyncset.done $0x0  }
0x8e: {  	[sflag:s0] =	ssyncadd.s32 $0xFFFFFF80  }
0x8f: {  	_ =	swait.ge [sflag:s0], $0x80  }
0x90: {  	[sflag:s0] =	ssyncset.done $0x0  }
0x91: {  	[sflag:s0] =	ssyncadd.s32 $0xFFFFFF80  }
0x92: {  	_ =	swait.ge [sflag:s0], $0x80  }
0x93: {  	[sflag:s0] =	ssyncset.done $0x0  }
0x94: {  	[sflag:s0] =	ssyncadd.s32 $0xFFFFFF80  }
0x95: {  	_ =	swait.ge [sflag:s0], $0x80  }
0x96: {  	[sflag:s0] =	ssyncset.done $0x0  }
0x97: {  	[sflag:s0] =	ssyncadd.s32 $0xFFFFFF80  }
0x98: {  	_ =	swait.ge [sflag:s2], $0x8000  }
.Ltmp3:
0x99: {  	[sflag:s2] =	ssyncset.done $0x0;
	(pc) =	sbr.rel .LBB2_4-.Ltmp3, $4  }
0x9a: {  	[sflag:s2] =	ssyncadd.s32 $0xFFFF8000  }
0x9b: {  	_ =	swait.ge [sflag:s2], $0x8000  }
0x9c: {  	[sflag:s2] =	ssyncset.done $0x0  }
0x9d: {  	s9 =	simm.s32 $0x0;
	s10 =	simm.s32 $0xFFFFFFFF;
	v1 =	vimm.f32 $0.0e+00;
	[sflag:s2] =	ssyncadd.s32 $0xFFFF8000  }
.LBB2_5:
0x9e: {  	s11 =	smov.u32 @p1 s11;
	s6 =	smov.u32 @p1 s6  }
.LBB2_9:
0x9f: {  	s12 =	smulhi.u32 @p0 $0x92492493, s10;
	s13 =	sshra.s32 @p0 s10, $0x1F  }
0xa0: {  	s13 =	smul.u32 @p0 $0x92492493, s13  }
0xa1: {  	s12 =	ssub.s32 @p0 s12, s10  }
0xa2: {  	s12 =	sadd.s32 @p0 s13, s12  }
0xa3: {  	s12 =	sadd.s32 @p0 s10, s12  }
0xa4: {  	s13 =	sshrl.u32 @p0 s12, $0x1F;
	s12 =	sshra.s32 @p0 s12, $0x2  }
0xa5: {  	s12 =	sadd.s32 @p0 s13, s12  }
0xa6: {  	s12 =	smul.u32 @p0 $0x7, s12;
	_ =	sdelay $0x1  }
0xa7: {  	s12 =	ssub.s32 @p0 s10, s12  }
0xa8: {  	p1 =	slt.s32 @p0 s12, $0x0  }
0xa9: {  	s13 =	sadd.s32 @p0 $0x7, s12;
	p1 =	por !p1, !p0  }
0xaa: {  	s13 =	smov.u32 @p1 s12  }
0xab: {  	s12 =	sadd.s32 @p0 $0x1, s13  }
0xac: {  	_ =	swait.ge @p0 [sflag:s12], $0x2000  }
0xad: {  	[sflag:s12] =	ssyncset.done @p0 $0x0  }
0xae: {  	[sflag:s12] =	ssyncadd.s32 @p0 $0xFFFFE000  }
0xaf: {  	v2 =	vld [tilespmem:s9+$0x0];
	_ =	sdelay $0x4  }
0xb0: {  	(v2sf) =	vpush v2, $0x0;
	_ =	sdelay $0xe  }
0xb1: {  	s12 =	spop (v2sf)  }
0xb2: {  	p0 =	sgt.s32 s12, $0x1867F  }
0xb3: {  	v2 =	vld @p0 [tilespmem:s9+$0x280];
	_ =	sdelay $0x4  }
0xb4: {  	(v2sf) =	vpush @p0 v2, $0x0;
	_ =	sdelay $0xb  }
0xb5: {  	s13 =	smulhi.u32 @!p0 $0x92492493, s10;
	s14 =	sshra.s32 @!p0 s10, $0x1F  }
0xb6: {  	s14 =	smul.u32 @!p0 $0x92492493, s14  }
0xb7: {  	s13 =	ssub.s32 @!p0 s13, s10  }
0xb8: {  	s13 =	sadd.s32 @!p0 s14, s13;
	s15 =	spop @p0 (v2sf)  }
0xb9: {  	s13 =	sadd.s32 @!p0 s10, s13;
	v2 =	vlaneseq.u32 @p0;
	s14 =	sshll.u32 @p0 s15, $0x5  }
0xba: {  	v2 =	vmul.u32 @p0 $0x20, v2;
	s15 =	sshrl.u32 @!p0 s13, $0x1F;
	s13 =	sshra.s32 @!p0 s13, $0x2;
	s14 =	sadd.s32 @p0 s14, s12  }
0xbb: {  	v3 =	vlaneseq.u32 @!p0;
	s13 =	sadd.s32 @!p0 s15, s13;
	s14 =	sadd.s32 @p0 $0xFFFE7980, s14  }
0xbc: {  	s21 =	sshll.u32 s9, $0x6;
	v3 =	vmul.u32 @!p0 $0x80, v3;
	v5 =	vor.u32 @p0 $0x200, v2;
	s13 =	smul.u32 @!p0 $0x7, s13;
	v4 =	vadd.s32 @p0 s14, v2  }
0xbd: {  	s15 =	sand.u32 $0x3FFFFFC0, s21;
	s12 =	sand.u32 @!p0 $0x7F, s12;
	v5 =	vadd.s32 @p0 s14, v5  }
0xbe: {  	v8 =	vor.u32 @!p0 $0x800, v3;
	v6 =	vld [tilespmem:s15+$0x16900];
	v7 =	vor.u32 @!p0 s12, v3;
	s13 =	ssub.s32 @!p0 s10, s13  }
0xbf: {  	v10 =	vor.u32 @p0 $0x400, v2;
	v9 =	vld [tilespmem:s15+$0x16910];
	v8 =	vor.u32 @!p0 s12, v8;
	p1 =	slt.s32 @!p0 s13, $0x0;
	s13 =	sshll.u32 @!p0 s13, $0xD  }
0xc0: {  	s18 =	simm.s32 @p0 $0xE900;
	v12 =	vor.u32 @!p0 $0x1000, v3;
	v11 =	vld [tilespmem:s15+$0x16920];
	v10 =	vadd.s32 @p0 s14, v10;
	s19 =	sadd.s32 @!p0 $0xE000, s13;
	p1 =	por !p1, p0  }
0xc1: {  	v12 =	vor.u32 @!p0 s12, v12;
	v2 =	vor.u32 @p0 $0x600, v2;
	s19 =	smov.u32 @p1 s13;
	v4 =	vld.idx.msk @p0 [tilespmem:v4+s18+$0x0], $0xffff  }
0xc2: {  	v3 =	vor.u32 @!p0 $0x1800, v3;
	v2 =	vadd.s32 @p0 s14, v2;
	v5 =	vld.idx.msk @p0 [tilespmem:v5+s18+$0x0], $0xffff;
	s13 =	sor.u32 @!p0 $0x900, s19  }
0xc3: {  	v3 =	vor.u32 @!p0 s12, v3;
	v7 =	vld.idx.msk @!p0 [tilespmem:v7+s13+$0x0], $0xffff  }
0xc4: {  	v8 =	vld.idx.msk @!p0 [tilespmem:v8+s13+$0x0], $0xffff  }
0xc5: {  	v10 =	vld.idx.msk @p0 [tilespmem:v10+s18+$0x0], $0xffff  }
0xc6: {  	v12 =	vld.idx.msk @!p0 [tilespmem:v12+s13+$0x0], $0xffff  }
0xc7: {  	v2 =	vld.idx.msk @p0 [tilespmem:v2+s18+$0x0], $0xffff  }
0xc8: {  	v3 =	vld.idx.msk @!p0 [tilespmem:v3+s13+$0x0], $0xffff;
	v4 =	vmul.f32 @p0 v4, v6;
	v5 =	vmul.f32 @p0 v5, v9  }
0xc9: {  	v62 =	vld [tilespmem:s15+$0x16930];
	v6 =	vmul.f32 @!p0 v7, v6;
	v7 =	vmul.f32 @!p0 v8, v9  }
0xca: {  	v4 =	vadd.f32 @p0 v5, v4  }
0xcb: {  	v5 =	vadd.f32 @!p0 v7, v6;
	v6 =	vmul.f32 @p0 v10, v11;
	v7 =	vmul.f32 @!p0 v12, v11;
	_ =	sdelay $0x1  }
0xcc: {  	v2 =	vpsel p0, v2, v3;
	v4 =	vadd.f32 @p0 v6, v4;
	v5 =	vadd.f32 @!p0 v7, v5  }
0xcd: {  	v2 =	vmul.f32 v2, v62  }
0xce: {  	v3 =	vpsel p0, v4, v5  }
0xcf: {  	v2 =	vadd.f32 v2, v3;
	_ =	sdelay $0x1  }
0xd0: {  	(xrf2) =	vadd.scan.msk.f32 $0xffff, v2;
	_ =	sdelay $0x6  }
0xd1: {  	s22 =	sand.u32 $0xF, s9  }
0xd2: {  	p0 =	sne.s32 s22, $0xF  }
0xd3: {  	v2 =	vld @!p0 [tilespmem:s9+$0x1E8F1]  }
0xd4: {  	v3, _, _ =	vpop (xrf2)  }
0xd5: {  	v63 =	vmov s22;
	v3 =	vbroadcast v3, $0xF  }
0xd6: {  	vm0 =	veq.s32 v63, v0  }
0xd7: {  	v1 =	vsel vm0, v3, v1  }
0xd8: {  	v2 =	vadd.f32 @!p0 v2, v1;
	_ =	sdelay $0x1  }
0xd9: {  	[tilespmem:s9+$0x1EAF1] =	vst @!p0 v2;
	s9 =	sadd.s32 $0x1, s9  }
0xda: {  	p0 =	sne.s32 s9, $0x200  }
.Ltmp4:
0xdb: {  	_ = 	snop;
	(pc) =	sbr.rel @!p0 .LBB2_10-.Ltmp4, $1  }
0xdc: {  	_ =	sdelay $0x3  }
.LBB2_4:
0xdd: {  	s12 =	smax.u32 s9, $0x1;
	v2 =	vld [tilespmem:s9+$0x0]  }
0xde: {  	v3 =	vld [tilespmem:s12+$0xFFFFFFFF];
	_ =	sdelay $0x1  }
0xdf: {  	v4 =	vld [tilespmem:s9+$0x280];
	_ =	sdelay $0x1  }
0xe0: {  	(v2sf) =	vpush v2, $0x0  }
0xe1: {  	(v2sf) =	vpush v3, $0x0;
	_ =	sdelay $0x1  }
0xe2: {  	(v2sf) =	vpush v4, $0x0  }
0xe3: {  	v2 =	vld [tilespmem:s12+$0x27F];
	_ =	sdelay $0x4  }
0xe4: {  	(v2sf) =	vpush v2, $0x0;
	_ =	sdelay $0x5  }
0xe5: {  	s14 =	spop (v2sf)  }
0xe6: {  	s13 =	spop (v2sf);
	s18 =	sshra.s32 s14, $0x1F;
	s19 =	sand.u32 $0x7F, s14  }
0xe7: {  	p0 =	slt.s32 s14, $0x1;
	s18 =	sshrl.u32 s18, $0x19;
	p1 =	sne.s32 s19, $0x0  }
0xe8: {  	s15 =	spop (v2sf);
	s21 =	sand.u32 $0x7F, s13;
	s20 =	sshra.s32 s13, $0x1F  }
0xe9: {  	p3 =	slt.s32 s13, $0x1;
	s12 =	sadd.s32 s18, s14;
	p0 =	por !p0, !p1  }
0xea: {  	p2 =	sne.s32 s21, $0x0;
	s18 =	simm.s32 $0x1;
	s20 =	sshrl.u32 s20, $0x19  }
0xeb: {  	s12 =	sshra.s32 s12, $0x7;
	p0 =	por !p0, !p0;
	p1 =	por !p3, !p2  }
0xec: {  	s13 =	sadd.s32 s20, s13;
	s20 =	simm.s32 $0x1;
	p1 =	por !p1, !p1  }
0xed: {  	s18 =	simm.s32 @!p0 $0x0;
	s13 =	sshra.s32 s13, $0x7;
	s20 =	simm.s32 @!p1 $0x0  }
0xee: {  	s22 =	spop (v2sf);
	s12 =	ssub.s32 s12, s18;
	s13 =	ssub.s32 s13, s20  }
0xef: {  	p5 =	sne.s32 s15, s22;
	p4 =	sne.s32 s12, s13  }
0xf0: {  	p6 =	seq.s32 s9, $0x0;
	p0 =	por p5, p4  }
0xf1: {  	s12 =	simm.s32 $0x1;
	p0 =	por p6, p0  }
0xf2: {  	s12 =	simm.s32 @!p0 $0x0  }
0xf3: {  	s10 =	sadd.s32 s12, s10  }
0xf4: {  	p1 =	sgt.s32 s11, $0x1FF;
	s18 =	sadd.s32 $0x7, s10  }
0xf5: {  	p2 =	sge.s32 @!p1 s6, s18  }
0xf6: {  	p2 =	por p1, p2  }
.Ltmp5:
0xf7: {  	_ = 	snop;
	(pc) =	sbr.rel @p2 .LBB2_5-.Ltmp5, $1  }
0xf8: {  	_ =	sdelay $0x3  }
0xf9: {  	s12 =	sshll.u32 s11, $0x2  }
0xfa: {  	s12 =	sshra.s32 s12, $0x2  }
0xfb: {  	s19 =	sadd.s32 $0x280, s12  }
.LBB2_7:
0xfc: {  	s13 =	sadd.s32 $0xFFFFFFFF, s11  }
0xfd: {  	v2 =	vld [tilespmem:s12+$0x0];
	p1 =	sgt.s32 s13, $0x0  }
0xfe: {  	s13 =	simm.s32 @!p1 $0x0  }
0xff: {  	v3 =	vld [tilespmem:s13+$0x0];
	_ =	sdelay $0x2  }
0x100: {  	(v2sf) =	vpush v2, $0x0;
	v2 =	vld [tilespmem:s19+$0x0];
	_ =	sdelay $0x1  }
0x101: {  	(v2sf) =	vpush v3, $0x0;
	_ =	sdelay $0x1  }
0x102: {  	v3 =	vld [tilespmem:s13+$0x280]  }
0x103: {  	(v2sf) =	vpush v2, $0x0;
	_ =	sdelay $0x3  }
0x104: {  	(v2sf) =	vpush v3, $0x0;
	_ =	sdelay $0x5  }
0x105: {  	s15 =	spop (v2sf)  }
0x106: {  	s20 =	sshra.s32 s15, $0x1F;
	p6 =	slt.s32 s15, $0x1;
	s14 =	sand.u32 $0x7F, s15  }
0x107: {  	s20 =	sshrl.u32 s20, $0x19;
	p2 =	sne.s32 s14, $0x0;
	s21 =	spop (v2sf)  }
0x108: {  	p1 =	por !p6, !p2;
	s13 =	sadd.s32 s20, s15;
	s22 =	sand.u32 $0x7F, s21  }
0x109: {  	p3 =	slt.s32 s21, $0x1;
	s13 =	sshra.s32 s13, $0x7;
	s15 =	sshra.s32 s21, $0x1F  }
0x10a: {  	p1 =	por !p1, !p1;
	p4 =	sne.s32 s22, $0x0;
	s14 =	spop (v2sf)  }
0x10b: {  	s22 =	simm.s32 $0x1;
	s20 =	sshrl.u32 s15, $0x19;
	p3 =	por !p3, !p4  }
0x10c: {  	s20 =	sadd.s32 s20, s21;
	s21 =	simm.s32 $0x1;
	p2 =	por !p3, !p3  }
0x10d: {  	s22 =	simm.s32 @!p1 $0x0;
	s20 =	sshra.s32 s20, $0x7;
	s21 =	simm.s32 @!p2 $0x0  }
0x10e: {  	s13 =	ssub.s32 s13, s22;
	s22 =	spop (v2sf);
	s20 =	ssub.s32 s20, s21  }
0x10f: {  	p5 =	sne.s32 s14, s22;
	p4 =	sne.s32 s13, s20  }
0x110: {  	p6 =	seq.s32 s11, $0x0;
	p1 =	por p5, p4  }
0x111: {  	p1 =	por p6, p1  }
0x112: {  	s20 =	smulhi.u32 @p1 $0x92492493, s6;
	s21 =	sshra.s32 @p1 s6, $0x1F  }
0x113: {  	s21 =	smul.u32 @p1 $0x92492493, s21  }
0x114: {  	s20 =	ssub.s32 @p1 s20, s6  }
0x115: {  	s20 =	sadd.s32 @p1 s21, s20  }
0x116: {  	s20 =	sadd.s32 @p1 s6, s20  }
0x117: {  	s21 =	sshrl.u32 @p1 s20, $0x1F;
	s20 =	sshra.s32 @p1 s20, $0x2  }
0x118: {  	s20 =	sadd.s32 @p1 s21, s20  }
0x119: {  	s20 =	smul.u32 @p1 $0x7, s20  }
0x11a: {  	p2 =	slt.s32 @p1 s13, $0x30C  }
0x11b: {  	s14 =	sshrl.u32 @p1 s14, $0x3;
	p2 =	por !p2, !p1;
	s20 =	ssub.s32 @p1 s6, s20  }
0x11c: {  	s14 =	smul.u32 @p1 $0xC3800, s14;
	s13 =	simm.s32 @p2 $0x30C;
	p2 =	slt.s32 @p1 s20, $0x0  }
0x11d: {  	s13 =	sshll.u32 @p1 s13, $0xA;
	s21 =	sadd.s32 @p1 $0x7, s20;
	p2 =	por !p2, !p1  }
0x11e: {  	s15 =	simm.s32 @p1 $0xC3800;
	s13 =	sadd.s32 @p1 s14, s13;
	s21 =	smov.u32 @p2 s20  }
0x11f: {  	s13 =	sshrl.u32 @p1 s13, $0x3;
	s20 =	simm.s32 $0x1;
	s22 =	sshll.u32 @p1 s21, $0xF  }
0x120: {  	s13 =	sadd.s32 @p1 s1, s13;
	s20 =	simm.s32 @!p1 $0x0;
	s14 =	sshra.s32 @p1 s22, $0x2  }
0x121: {  	s21 =	sadd.s32 @p1 $0x1, s21;
	s22 =	simm.s32 @p1 $0x400;
	s14 =	sor.u32 @p1 $0x900, s14  }
0x122: {  	[tilespmem:s14], [sflag:s21] =	stream.strided.gather @p1 [hbm4b:s13+s22], $0x2000, s15, s22, $0x38;
	[tilespmem:$0x1ED00] =	vst v63  }
0x123: {  	s6 =	sadd.s32 s20, s6;
	p1 =	sgt.s32 s11, $0x1FE  }
0x124: {  	p2 =	slt.s32 @!p1 s6, s18  }
0x125: {  	p2 =	por p1, !p2  }
.Ltmp6:
0x126: {  	_ = 	snop;
	(pc) =	sbr.rel @!p2 .LBB2_7-.Ltmp6, $2  }
0x127: {  	_ =	sdelay $0x2  }
0x128: {  	s12 =	sadd.s32 $0x1, s12;
	s19 =	sadd.s32 $0x1, s19;
	s11 =	sadd.s32 $0x1, s11  }
.Ltmp7:
0x129: {  	(pc) =	sbr.rel .LBB2_9-.Ltmp7, $2  }
0x12a: {  	_ =	sdelay $0x2  }
0x12b: {  	s11 =	smov.u32 @p1 s11;
	s6 =	smov.u32 @p1 s6  }
.LBB2_11:
0x12c: {  	_ =	sfence.sel $0x180000  }
0x12d: {  	[bflag:$0x0] =	sbarrier.arrive $0xFFFF  }
0x12e: {  	_ =	strace $0x9000004D  }
0x12f: {  	s0 =	stileid.u32;
	[bflag:$0x2] =	sbarrier.arrive $0xFFFF  }
0x130: {  	p0 =	sne.s32 s0, $0x0;
	s0 =	rddreg [dreg:$0x4]  }
0x131: {  	s0 =	sadd.s32 @!p0 $0x100000, s0  }
0x132: {  	[sflag:s0] =	ssyncadd.tile.s32 @!p0 $0x1;
	_ =	shalt  }
.Lfunc_end2:
_tile_overlayer_lowered:
.L_overlay_start_2:
0x133: {  	(tag) =	ssettag $0x2  }
0x134: {  	s0 =	rddreg [dreg:$0x0];
	s2 =	stileid.u32  }
0x135: {  	s1 =	rddreg [dreg:$0x1];
	p0 =	sne.s32 s2, $0x0  }
0x136: {  	s3 =	rddreg [dreg:$0x2];
	[bflag:$0x3] =	sbarrier.arrive $0xFFFF;
	s2 =	simm.s32 @!p0 $0x1C0C  }
0x137: {  	[timem:s3], [sflag:s2] =	dma.local @!p0 [hbm:s0], s1  }
0x138: {  	s0 =	simm.s32 @!p0 $0xC  }
0x139: {  	_ =	swait.ge @!p0 [sflag:s0], s1  }
0x13a: {  	s1 =	ssub.s32 @!p0 $0x0, s1;
	[sflag:s0] =	ssyncset.done @!p0 $0x0  }
0x13b: {  	[sflag:s0] =	ssyncadd.s32 @!p0 s1  }
0x13c: {  	[bflag:$0x3] =	sbarrier.arrive $0xFFFF  }
0x13d: {  	_ =	shalt  }

</sc_bundles>
